<compile_context>
chip_gen: v7x
topology: tpu7x:2x2x1
jax: 0.10.2.dev20260603
libtpu: 0.0.44.dev20260713+nightly
codegen_flags: <defaults>
</compile_context>

<pallas_src>
import functools
import jax
import jax.numpy as jnp
from jax import lax
from jax.experimental import pallas as pl
from jax.experimental.pallas import tpu as pltpu
from jax.experimental.pallas import tpu_sc as plsc

_B, _S, _D = 16, 4096, 768
_NW = 32
_HALF = _S // 2
_CR = 64
_NCHUNK = _HALF // _CR
_VPR = _D // 16


def _sc_body(x_hbm, mask_hbm, pos_hbm, out_hbm, xbuf, pbuf, mbuf):
    wid = lax.axis_index("s") * 2 + lax.axis_index("c")
    b = wid // 2
    h = wid % 2

    def chunk_body(c, _):
        row0 = h * _HALF + c * _CR
        n = _CR * _D
        pltpu.sync_copy(x_hbm.at[pl.ds(b * _S * _D + row0 * _D, n)], xbuf)
        pltpu.sync_copy(pos_hbm.at[pl.ds(row0 * _D, n)], pbuf)
        pltpu.sync_copy(mask_hbm.at[pl.ds(row0, _CR)], mbuf)

        def row_body(r, _):
            m = plsc.load_gather(mbuf, [jnp.full((16,), r, jnp.int32)])
            for k in range(_VPR):
                off = r * _D + k * 16
                xbuf[pl.ds(off, 16)] = xbuf[pl.ds(off, 16)] + pbuf[pl.ds(off, 16)] * m
            return 0

        lax.fori_loop(0, _CR, row_body, 0)
        pltpu.sync_copy(xbuf, out_hbm.at[pl.ds(b * _S * _D + row0 * _D, n)])
        return 0

    lax.fori_loop(0, _NCHUNK, chunk_body, 0)


def kernel(x, mask, pos_embed):
    B, S, D = x.shape
    x_flat = x.reshape(B * S * D)
    pos_flat = pos_embed.reshape(S * D)
    maskf = mask.reshape(S).astype(jnp.float32)
    mesh = plsc.VectorSubcoreMesh(core_axis_name="c", subcore_axis_name="s")
    sc = functools.partial(
        pl.kernel,
        mesh=mesh,
        out_type=jax.ShapeDtypeStruct((B * S * D,), jnp.float32),
        scratch_types=[
            pltpu.VMEM((_CR * _D,), jnp.float32),
            pltpu.VMEM((_CR * _D,), jnp.float32),
            pltpu.VMEM((_CR,), jnp.float32),
        ],
        compiler_params=pltpu.CompilerParams(needs_layout_passes=False),
    )(_sc_body)
    out = sc(x_flat, maskf, pos_flat)
    return out.reshape(B, S, D)

# --- scband reference (transcript-rebuilt; emitter-appended) ---
"""Pipeline reference for scband-position-embedding-57269093925311 (READ-ONLY COPY).

The authoritative reference and input builder live on the scoring server;
editing this copy changes nothing except your own understanding.
"""

import jax, jax.numpy as jnp
import numpy as np


def setup_inputs(seed: int = 0) -> dict:
    key = jax.random.key(seed)
    k1, k2 = jax.random.split(key)
    B, S, D = 16, 4096, 768
    x = jax.random.normal(k1, (B, S, D), dtype=jnp.float32)
    mask = jnp.ones((1, S), dtype=bool)
    # learned parameter: pos_embed [1, seq_len, embed_dim], trunc_normal std=0.02
    pos_embed = jax.random.normal(k2, (1, S, D), dtype=jnp.float32) * 0.02
    return {"x": x, "mask": mask, "pos_embed": pos_embed}


def extract_valid_region(x, mask):
    # torch: x.masked_select(mask).reshape(x.shape[0], -1, x.shape[-1])
    # mask broadcasts over the last (feature) dim, so whole rows are selected ->
    # equivalent to a row gather at the concrete (non-traced) mask positions.
    sel = jnp.broadcast_to(mask, x.shape)
    valid = jnp.where(sel, x, jnp.zeros((), dtype=x.dtype))
    return valid.reshape(x.shape[0], -1, x.shape[-1])


def reference(x, mask, pos_embed):
    m = mask.reshape(mask.shape[0], -1)[:, :, None]
    pos_valid = extract_valid_region(pos_embed, m)
    return x + pos_valid

if __name__ == "__main__":
    import jax
    _d = setup_inputs()
    print(jax.jit(kernel)(*tuple(_d.values())))

</pallas_src>

<mosaic_0001>
#map = affine_map<(d0, d1) -> (0)>
module attributes {stable_mosaic.version = 14 : i64} {
  func.func @_sc_body(%arg0: i32, %arg1: i32, %arg2: memref<50331648xf32, #tpu.memory_space<hbm>>, %arg3: memref<4096xf32, #tpu.memory_space<hbm>>, %arg4: memref<3145728xf32, #tpu.memory_space<hbm>>, %arg5: memref<50331648xf32, #tpu.memory_space<hbm>>, %arg6: memref<49152xf32, #tpu.memory_space<vmem>>, %arg7: memref<49152xf32, #tpu.memory_space<vmem>>, %arg8: memref<64xf32, #tpu.memory_space<vmem>>) attributes {dimension_semantics = [#tpu.dimension_semantics<core_parallel>, #tpu.dimension_semantics<subcore_parallel>], iteration_bounds = array<i64: 2, 16>, scalar_prefetch = 0 : i64, scratch_operands = 3 : i64, tpu.core_type = #tpu.core_type<sc_vector_subcore>, window_params = [{transform_indices = #map}, {transform_indices = #map}, {transform_indices = #map}, {transform_indices = #map}]} {
    %mul3A = arith.constant 2 : i32
    %mul3A_0 = arith.muli %arg1, %mul3A : i32
    %add3A = arith.addi %mul3A_0, %arg0 : i32
    %jit3A = arith.constant 2 : i32
    %div3A = arith.divsi %add3A, %jit3A : i32
    %sign3A = arith.constant 0 : i32
    %sign3A_1 = arith.cmpi sgt, %add3A, %sign3A : i32
    %sign3A_2 = arith.extui %sign3A_1 : i1 to i32
    %sign3A_3 = arith.constant 0 : i32
    %sign3A_4 = arith.cmpi slt, %add3A, %sign3A_3 : i32
    %sign3A_5 = arith.extui %sign3A_4 : i1 to i32
    %sign3A_6 = arith.subi %sign3A_2, %sign3A_5 : i32
    %sign3A_7 = arith.constant 0 : i32
    %sign3A_8 = arith.cmpi sgt, %jit3A, %sign3A_7 : i32
    %sign3A_9 = arith.extui %sign3A_8 : i1 to i32
    %sign3A_10 = arith.constant 0 : i32
    %sign3A_11 = arith.cmpi slt, %jit3A, %sign3A_10 : i32
    %sign3A_12 = arith.extui %sign3A_11 : i1 to i32
    %sign3A_13 = arith.subi %sign3A_9, %sign3A_12 : i32
    %ne3A = arith.cmpi ne, %sign3A_6, %sign3A_13 : i32
    %rem3A = arith.remsi %add3A, %jit3A : i32
    %ne3A_14 = arith.constant 0 : i32
    %ne3A_15 = arith.cmpi ne, %rem3A, %ne3A_14 : i32
    %and3A = arith.andi %ne3A, %ne3A_15 : i1
    %sub3A = arith.constant 1 : i32
    %sub3A_16 = arith.subi %div3A, %sub3A : i32
    %select_n3A = arith.select %and3A, %sub3A_16, %div3A : i32
    %jit3A_17 = arith.constant 2 : i32
    %eq3A = arith.constant 0 : i32
    %eq3A_18 = arith.cmpi eq, %jit3A_17, %eq3A : i32
    %jit3A_19 = arith.constant 1 : i32
    %select_n3A_20 = arith.select %eq3A_18, %jit3A_19, %jit3A_17 : i32
    %rem3A_21 = arith.remsi %add3A, %select_n3A_20 : i32
    %ne3A_22 = arith.constant 0 : i32
    %ne3A_23 = arith.cmpi ne, %rem3A_21, %ne3A_22 : i32
    %lt3A = arith.constant 0 : i32
    %lt3A_24 = arith.cmpi slt, %rem3A_21, %lt3A : i32
    %lt3A_25 = arith.constant 0 : i32
    %lt3A_26 = arith.cmpi slt, %select_n3A_20, %lt3A_25 : i32
    %ne3A_27 = arith.xori %lt3A_24, %lt3A_26 : i1
    %and3A_28 = arith.andi %ne3A_27, %ne3A_23 : i1
    %add3A_29 = arith.addi %rem3A_21, %select_n3A_20 : i32
    %select_n3A_30 = arith.select %and3A_28, %add3A_29, %rem3A_21 : i32
    %scan3A = arith.constant 0 : i32
    %scan3A_31 = arith.constant 0 : i32
    %scan3A_32 = arith.constant 32 : i32
    %scan3A_33 = arith.addi %scan3A_31, %scan3A_32 : i32
    %scan3A_34 = arith.constant 1 : i32
    %scan3A_35 = scf.for %scan3A_37 = %scan3A_31 to %scan3A_33 step %scan3A_34 iter_args(%scan3A_38 = %scan3A) -> (i32)  : i32 {
      %mul3A_39 = arith.constant 2048 : i32
      %mul3A_40 = arith.muli %select_n3A_30, %mul3A_39 : i32
      %mul3A_41 = arith.constant 64 : i32
      %mul3A_42 = arith.muli %scan3A_37, %mul3A_41 : i32
      %add3A_43 = arith.addi %mul3A_40, %mul3A_42 : i32
      %mul3A_44 = arith.constant 4096 : i32
      %mul3A_45 = arith.muli %select_n3A, %mul3A_44 : i32
      %mul3A_46 = arith.constant 768 : i32
      %mul3A_47 = arith.muli %mul3A_45, %mul3A_46 : i32
      %mul3A_48 = arith.constant 768 : i32
      %mul3A_49 = arith.muli %add3A_43, %mul3A_48 : i32
      %add3A_50 = arith.addi %mul3A_47, %mul3A_49 : i32
      "tpu.region"() ({
        %run_scoped3A = tpu.sem_alloc : memref<!tpu.dma_semaphore, #tpu.memory_space<semaphore_mem>>
        %dma_start3A = tpu.memref_slice %arg2[%add3A_50] : memref<50331648xf32, #tpu.memory_space<hbm>> -> memref<49152xf32, #tpu.memory_space<hbm>>
        %dma_start3A_68 = tpu.memref_slice %arg2[%add3A_50] : memref<50331648xf32, #tpu.memory_space<hbm>> -> memref<49152xf32, #tpu.memory_space<hbm>>
        tpu.enqueue_dma source(%dma_start3A_68 : memref<49152xf32, #tpu.memory_space<hbm>>) target(%arg6 : memref<49152xf32, #tpu.memory_space<vmem>>) target_semaphore(%run_scoped3A : memref<!tpu.dma_semaphore, #tpu.memory_space<semaphore_mem>>)
        %dma_wait3A = tpu.memref_slice %arg2[%add3A_50] : memref<50331648xf32, #tpu.memory_space<hbm>> -> memref<49152xf32, #tpu.memory_space<hbm>>
        %dma_wait3A_69 = tpu.memref_slice %arg2[%add3A_50] : memref<50331648xf32, #tpu.memory_space<hbm>> -> memref<49152xf32, #tpu.memory_space<hbm>>
        tpu.wait_dma2 semaphore(%run_scoped3A : memref<!tpu.dma_semaphore, #tpu.memory_space<semaphore_mem>>) src(%dma_wait3A_69 : memref<49152xf32, #tpu.memory_space<hbm>>) dst(%arg6 : memref<49152xf32, #tpu.memory_space<vmem>>)
        tpu.yield
      }) : () -> ()
      %mul3A_51 = arith.constant 768 : i32
      %mul3A_52 = arith.muli %add3A_43, %mul3A_51 : i32
      "tpu.region"() ({
        %run_scoped3A = tpu.sem_alloc : memref<!tpu.dma_semaphore, #tpu.memory_space<semaphore_mem>>
        %dma_start3A = tpu.memref_slice %arg4[%mul3A_52] : memref<3145728xf32, #tpu.memory_space<hbm>> -> memref<49152xf32, #tpu.memory_space<hbm>>
        %dma_start3A_68 = tpu.memref_slice %arg4[%mul3A_52] : memref<3145728xf32, #tpu.memory_space<hbm>> -> memref<49152xf32, #tpu.memory_space<hbm>>
        tpu.enqueue_dma source(%dma_start3A_68 : memref<49152xf32, #tpu.memory_space<hbm>>) target(%arg7 : memref<49152xf32, #tpu.memory_space<vmem>>) target_semaphore(%run_scoped3A : memref<!tpu.dma_semaphore, #tpu.memory_space<semaphore_mem>>)
        %dma_wait3A = tpu.memref_slice %arg4[%mul3A_52] : memref<3145728xf32, #tpu.memory_space<hbm>> -> memref<49152xf32, #tpu.memory_space<hbm>>
        %dma_wait3A_69 = tpu.memref_slice %arg4[%mul3A_52] : memref<3145728xf32, #tpu.memory_space<hbm>> -> memref<49152xf32, #tpu.memory_space<hbm>>
        tpu.wait_dma2 semaphore(%run_scoped3A : memref<!tpu.dma_semaphore, #tpu.memory_space<semaphore_mem>>) src(%dma_wait3A_69 : memref<49152xf32, #tpu.memory_space<hbm>>) dst(%arg7 : memref<49152xf32, #tpu.memory_space<vmem>>)
        tpu.yield
      }) : () -> ()
      "tpu.region"() ({
        %run_scoped3A = tpu.sem_alloc : memref<!tpu.dma_semaphore, #tpu.memory_space<semaphore_mem>>
        %dma_start3A = tpu.memref_slice %arg3[%add3A_43] : memref<4096xf32, #tpu.memory_space<hbm>> -> memref<64xf32, #tpu.memory_space<hbm>>
        %dma_start3A_68 = tpu.memref_slice %arg3[%add3A_43] : memref<4096xf32, #tpu.memory_space<hbm>> -> memref<64xf32, #tpu.memory_space<hbm>>
        tpu.enqueue_dma source(%dma_start3A_68 : memref<64xf32, #tpu.memory_space<hbm>>) target(%arg8 : memref<64xf32, #tpu.memory_space<vmem>>) target_semaphore(%run_scoped3A : memref<!tpu.dma_semaphore, #tpu.memory_space<semaphore_mem>>)
        %dma_wait3A = tpu.memref_slice %arg3[%add3A_43] : memref<4096xf32, #tpu.memory_space<hbm>> -> memref<64xf32, #tpu.memory_space<hbm>>
        %dma_wait3A_69 = tpu.memref_slice %arg3[%add3A_43] : memref<4096xf32, #tpu.memory_space<hbm>> -> memref<64xf32, #tpu.memory_space<hbm>>
        tpu.wait_dma2 semaphore(%run_scoped3A : memref<!tpu.dma_semaphore, #tpu.memory_space<semaphore_mem>>) src(%dma_wait3A_69 : memref<64xf32, #tpu.memory_space<hbm>>) dst(%arg8 : memref<64xf32, #tpu.memory_space<vmem>>)
        tpu.yield
      }) : () -> ()
      %scan3A_53 = arith.constant 0 : i32
      %scan3A_54 = arith.constant 0 : i32
      %scan3A_55 = arith.constant 64 : i32
      %scan3A_56 = arith.addi %scan3A_54, %scan3A_55 : i32
      %scan3A_57 = arith.constant 1 : i32
      %scan3A_58 = scf.for %scan3A_68 = %scan3A_54 to %scan3A_56 step %scan3A_57 iter_args(%scan3A_69 = %scan3A_53) -> (i32)  : i32 {
        %broadcast_in_dim3A = vector.broadcast %scan3A_68 : i32 to vector<16xi32>
        %gather3A = tpu.vector_load_idx %arg8[%broadcast_in_dim3A] : memref<64xf32, #tpu.memory_space<vmem>>[vector<16xi32>], vector<16xf32>,
        %mul3A_70 = arith.constant 768 : i32
        %mul3A_71 = arith.muli %scan3A_68, %mul3A_70 : i32
        %add3A_72 = arith.constant 0 : i32
        %add3A_73 = arith.addi %mul3A_71, %add3A_72 : i32
        %get3A = arith.index_cast %add3A_73 : i32 to index
        %get3A_74 = tpu.vector_load %arg6[%get3A] {strides = array<i32>} : memref<49152xf32, #tpu.memory_space<vmem>>, vector<16xf32>,
        %get3A_75 = arith.index_cast %add3A_73 : i32 to index
        %get3A_76 = tpu.vector_load %arg7[%get3A_75] {strides = array<i32>} : memref<49152xf32, #tpu.memory_space<vmem>>, vector<16xf32>,
        %mul3A_77 = arith.mulf %get3A_76, %gather3A : vector<16xf32>
        %add3A_78 = arith.addf %get3A_74, %mul3A_77 : vector<16xf32>
        %swap3A = arith.index_cast %add3A_73 : i32 to index
        %swap3A_79 = tpu.vector_load %arg6[%swap3A] {strides = array<i32>} : memref<49152xf32, #tpu.memory_space<vmem>>, vector<16xf32>,
        tpu.vector_store %arg6[%swap3A], %add3A_78 {strides = array<i32>} : memref<49152xf32, #tpu.memory_space<vmem>>, vector<16xf32>,
        %mul3A_80 = arith.constant 768 : i32
        %mul3A_81 = arith.muli %scan3A_68, %mul3A_80 : i32
        %add3A_82 = arith.constant 16 : i32
        %add3A_83 = arith.addi %mul3A_81, %add3A_82 : i32
        %get3A_84 = arith.index_cast %add3A_83 : i32 to index
        %get3A_85 = tpu.vector_load %arg6[%get3A_84] {strides = array<i32>} : memref<49152xf32, #tpu.memory_space<vmem>>, vector<16xf32>,
        %get3A_86 = arith.index_cast %add3A_83 : i32 to index
        %get3A_87 = tpu.vector_load %arg7[%get3A_86] {strides = array<i32>} : memref<49152xf32, #tpu.memory_space<vmem>>, vector<16xf32>,
        %mul3A_88 = arith.mulf %get3A_87, %gather3A : vector<16xf32>
        %add3A_89 = arith.addf %get3A_85, %mul3A_88 : vector<16xf32>
        %swap3A_90 = arith.index_cast %add3A_83 : i32 to index
        %swap3A_91 = tpu.vector_load %arg6[%swap3A_90] {strides = array<i32>} : memref<49152xf32, #tpu.memory_space<vmem>>, vector<16xf32>,
        tpu.vector_store %arg6[%swap3A_90], %add3A_89 {strides = array<i32>} : memref<49152xf32, #tpu.memory_space<vmem>>, vector<16xf32>,
        %mul3A_92 = arith.constant 768 : i32
        %mul3A_93 = arith.muli %scan3A_68, %mul3A_92 : i32
        %add3A_94 = arith.constant 32 : i32
        %add3A_95 = arith.addi %mul3A_93, %add3A_94 : i32
        %get3A_96 = arith.index_cast %add3A_95 : i32 to index
        %get3A_97 = tpu.vector_load %arg6[%get3A_96] {strides = array<i32>} : memref<49152xf32, #tpu.memory_space<vmem>>, vector<16xf32>,
        %get3A_98 = arith.index_cast %add3A_95 : i32 to index
        %get3A_99 = tpu.vector_load %arg7[%get3A_98] {strides = array<i32>} : memref<49152xf32, #tpu.memory_space<vmem>>, vector<16xf32>,
        %mul3A_100 = arith.mulf %get3A_99, %gather3A : vector<16xf32>
        %add3A_101 = arith.addf %get3A_97, %mul3A_100 : vector<16xf32>
        %swap3A_102 = arith.index_cast %add3A_95 : i32 to index
        %swap3A_103 = tpu.vector_load %arg6[%swap3A_102] {strides = array<i32>} : memref<49152xf32, #tpu.memory_space<vmem>>, vector<16xf32>,
        tpu.vector_store %arg6[%swap3A_102], %add3A_101 {strides = array<i32>} : memref<49152xf32, #tpu.memory_space<vmem>>, vector<16xf32>,
        %mul3A_104 = arith.constant 768 : i32
        %mul3A_105 = arith.muli %scan3A_68, %mul3A_104 : i32
        %add3A_106 = arith.constant 48 : i32
        %add3A_107 = arith.addi %mul3A_105, %add3A_106 : i32
        %get3A_108 = arith.index_cast %add3A_107 : i32 to index
        %get3A_109 = tpu.vector_load %arg6[%get3A_108] {strides = array<i32>} : memref<49152xf32, #tpu.memory_space<vmem>>, vector<16xf32>,
        %get3A_110 = arith.index_cast %add3A_107 : i32 to index
        %get3A_111 = tpu.vector_load %arg7[%get3A_110] {strides = array<i32>} : memref<49152xf32, #tpu.memory_space<vmem>>, vector<16xf32>,
        %mul3A_112 = arith.mulf %get3A_111, %gather3A : vector<16xf32>
        %add3A_113 = arith.addf %get3A_109, %mul3A_112 : vector<16xf32>
        %swap3A_114 = arith.index_cast %add3A_107 : i32 to index
        %swap3A_115 = tpu.vector_load %arg6[%swap3A_114] {strides = array<i32>} : memref<49152xf32, #tpu.memory_space<vmem>>, vector<16xf32>,
        tpu.vector_store %arg6[%swap3A_114], %add3A_113 {strides = array<i32>} : memref<49152xf32, #tpu.memory_space<vmem>>, vector<16xf32>,
        %mul3A_116 = arith.constant 768 : i32
        %mul3A_117 = arith.muli %scan3A_68, %mul3A_116 : i32
        %add3A_118 = arith.constant 64 : i32
        %add3A_119 = arith.addi %mul3A_117, %add3A_118 : i32
        %get3A_120 = arith.index_cast %add3A_119 : i32 to index
        %get3A_121 = tpu.vector_load %arg6[%get3A_120] {strides = array<i32>} : memref<49152xf32, #tpu.memory_space<vmem>>, vector<16xf32>,
        %get3A_122 = arith.index_cast %add3A_119 : i32 to index
        %get3A_123 = tpu.vector_load %arg7[%get3A_122] {strides = array<i32>} : memref<49152xf32, #tpu.memory_space<vmem>>, vector<16xf32>,
        %mul3A_124 = arith.mulf %get3A_123, %gather3A : vector<16xf32>
        %add3A_125 = arith.addf %get3A_121, %mul3A_124 : vector<16xf32>
        %swap3A_126 = arith.index_cast %add3A_119 : i32 to index
        %swap3A_127 = tpu.vector_load %arg6[%swap3A_126] {strides = array<i32>} : memref<49152xf32, #tpu.memory_space<vmem>>, vector<16xf32>,
        tpu.vector_store %arg6[%swap3A_126], %add3A_125 {strides = array<i32>} : memref<49152xf32, #tpu.memory_space<vmem>>, vector<16xf32>,
        %mul3A_128 = arith.constant 768 : i32
        %mul3A_129 = arith.muli %scan3A_68, %mul3A_128 : i32
        %add3A_130 = arith.constant 80 : i32
        %add3A_131 = arith.addi %mul3A_129, %add3A_130 : i32
        %get3A_132 = arith.index_cast %add3A_131 : i32 to index
        %get3A_133 = tpu.vector_load %arg6[%get3A_132] {strides = array<i32>} : memref<49152xf32, #tpu.memory_space<vmem>>, vector<16xf32>,
        %get3A_134 = arith.index_cast %add3A_131 : i32 to index
        %get3A_135 = tpu.vector_load %arg7[%get3A_134] {strides = array<i32>} : memref<49152xf32, #tpu.memory_space<vmem>>, vector<16xf32>,
        %mul3A_136 = arith.mulf %get3A_135, %gather3A : vector<16xf32>
        %add3A_137 = arith.addf %get3A_133, %mul3A_136 : vector<16xf32>
        %swap3A_138 = arith.index_cast %add3A_131 : i32 to index
        %swap3A_139 = tpu.vector_load %arg6[%swap3A_138] {strides = array<i32>} : memref<49152xf32, #tpu.memory_space<vmem>>, vector<16xf32>,
        tpu.vector_store %arg6[%swap3A_138], %add3A_137 {strides = array<i32>} : memref<49152xf32, #tpu.memory_space<vmem>>, vector<16xf32>,
        %mul3A_140 = arith.constant 768 : i32
        %mul3A_141 = arith.muli %scan3A_68, %mul3A_140 : i32
        %add3A_142 = arith.constant 96 : i32
        %add3A_143 = arith.addi %mul3A_141, %add3A_142 : i32
        %get3A_144 = arith.index_cast %add3A_143 : i32 to index
        %get3A_145 = tpu.vector_load %arg6[%get3A_144] {strides = array<i32>} : memref<49152xf32, #tpu.memory_space<vmem>>, vector<16xf32>,
        %get3A_146 = arith.index_cast %add3A_143 : i32 to index
        %get3A_147 = tpu.vector_load %arg7[%get3A_146] {strides = array<i32>} : memref<49152xf32, #tpu.memory_space<vmem>>, vector<16xf32>,
        %mul3A_148 = arith.mulf %get3A_147, %gather3A : vector<16xf32>
        %add3A_149 = arith.addf %get3A_145, %mul3A_148 : vector<16xf32>
        %swap3A_150 = arith.index_cast %add3A_143 : i32 to index
        %swap3A_151 = tpu.vector_load %arg6[%swap3A_150] {strides = array<i32>} : memref<49152xf32, #tpu.memory_space<vmem>>, vector<16xf32>,
        tpu.vector_store %arg6[%swap3A_150], %add3A_149 {strides = array<i32>} : memref<49152xf32, #tpu.memory_space<vmem>>, vector<16xf32>,
        %mul3A_152 = arith.constant 768 : i32
        %mul3A_153 = arith.muli %scan3A_68, %mul3A_152 : i32
        %add3A_154 = arith.constant 112 : i32
        %add3A_155 = arith.addi %mul3A_153, %add3A_154 : i32
        %get3A_156 = arith.index_cast %add3A_155 : i32 to index
        %get3A_157 = tpu.vector_load %arg6[%get3A_156] {strides = array<i32>} : memref<49152xf32, #tpu.memory_space<vmem>>, vector<16xf32>,
        %get3A_158 = arith.index_cast %add3A_155 : i32 to index
        %get3A_159 = tpu.vector_load %arg7[%get3A_158] {strides = array<i32>} : memref<49152xf32, #tpu.memory_space<vmem>>, vector<16xf32>,
        %mul3A_160 = arith.mulf %get3A_159, %gather3A : vector<16xf32>
        %add3A_161 = arith.addf %get3A_157, %mul3A_160 : vector<16xf32>
        %swap3A_162 = arith.index_cast %add3A_155 : i32 to index
        %swap3A_163 = tpu.vector_load %arg6[%swap3A_162] {strides = array<i32>} : memref<49152xf32, #tpu.memory_space<vmem>>, vector<16xf32>,
        tpu.vector_store %arg6[%swap3A_162], %add3A_161 {strides = array<i32>} : memref<49152xf32, #tpu.memory_space<vmem>>, vector<16xf32>,
        %mul3A_164 = arith.constant 768 : i32
        %mul3A_165 = arith.muli %scan3A_68, %mul3A_164 : i32
        %add3A_166 = arith.constant 128 : i32
        %add3A_167 = arith.addi %mul3A_165, %add3A_166 : i32
        %get3A_168 = arith.index_cast %add3A_167 : i32 to index
        %get3A_169 = tpu.vector_load %arg6[%get3A_168] {strides = array<i32>} : memref<49152xf32, #tpu.memory_space<vmem>>, vector<16xf32>,
        %get3A_170 = arith.index_cast %add3A_167 : i32 to index
        %get3A_171 = tpu.vector_load %arg7[%get3A_170] {strides = array<i32>} : memref<49152xf32, #tpu.memory_space<vmem>>, vector<16xf32>,
        %mul3A_172 = arith.mulf %get3A_171, %gather3A : vector<16xf32>
        %add3A_173 = arith.addf %get3A_169, %mul3A_172 : vector<16xf32>
        %swap3A_174 = arith.index_cast %add3A_167 : i32 to index
        %swap3A_175 = tpu.vector_load %arg6[%swap3A_174] {strides = array<i32>} : memref<49152xf32, #tpu.memory_space<vmem>>, vector<16xf32>,
        tpu.vector_store %arg6[%swap3A_174], %add3A_173 {strides = array<i32>} : memref<49152xf32, #tpu.memory_space<vmem>>, vector<16xf32>,
        %mul3A_176 = arith.constant 768 : i32
        %mul3A_177 = arith.muli %scan3A_68, %mul3A_176 : i32
        %add3A_178 = arith.constant 144 : i32
        %add3A_179 = arith.addi %mul3A_177, %add3A_178 : i32
        %get3A_180 = arith.index_cast %add3A_179 : i32 to index
        %get3A_181 = tpu.vector_load %arg6[%get3A_180] {strides = array<i32>} : memref<49152xf32, #tpu.memory_space<vmem>>, vector<16xf32>,
        %get3A_182 = arith.index_cast %add3A_179 : i32 to index
        %get3A_183 = tpu.vector_load %arg7[%get3A_182] {strides = array<i32>} : memref<49152xf32, #tpu.memory_space<vmem>>, vector<16xf32>,
        %mul3A_184 = arith.mulf %get3A_183, %gather3A : vector<16xf32>
        %add3A_185 = arith.addf %get3A_181, %mul3A_184 : vector<16xf32>
        %swap3A_186 = arith.index_cast %add3A_179 : i32 to index
        %swap3A_187 = tpu.vector_load %arg6[%swap3A_186] {strides = array<i32>} : memref<49152xf32, #tpu.memory_space<vmem>>, vector<16xf32>,
        tpu.vector_store %arg6[%swap3A_186], %add3A_185 {strides = array<i32>} : memref<49152xf32, #tpu.memory_space<vmem>>, vector<16xf32>,
        %mul3A_188 = arith.constant 768 : i32
        %mul3A_189 = arith.muli %scan3A_68, %mul3A_188 : i32
        %add3A_190 = arith.constant 160 : i32
        %add3A_191 = arith.addi %mul3A_189, %add3A_190 : i32
        %get3A_192 = arith.index_cast %add3A_191 : i32 to index
        %get3A_193 = tpu.vector_load %arg6[%get3A_192] {strides = array<i32>} : memref<49152xf32, #tpu.memory_space<vmem>>, vector<16xf32>,
        %get3A_194 = arith.index_cast %add3A_191 : i32 to index
        %get3A_195 = tpu.vector_load %arg7[%get3A_194] {strides = array<i32>} : memref<49152xf32, #tpu.memory_space<vmem>>, vector<16xf32>,
        %mul3A_196 = arith.mulf %get3A_195, %gather3A : vector<16xf32>
        %add3A_197 = arith.addf %get3A_193, %mul3A_196 : vector<16xf32>
        %swap3A_198 = arith.index_cast %add3A_191 : i32 to index
        %swap3A_199 = tpu.vector_load %arg6[%swap3A_198] {strides = array<i32>} : memref<49152xf32, #tpu.memory_space<vmem>>, vector<16xf32>,
        tpu.vector_store %arg6[%swap3A_198], %add3A_197 {strides = array<i32>} : memref<49152xf32, #tpu.memory_space<vmem>>, vector<16xf32>,
        %mul3A_200 = arith.constant 768 : i32
        %mul3A_201 = arith.muli %scan3A_68, %mul3A_200 : i32
        %add3A_202 = arith.constant 176 : i32
        %add3A_203 = arith.addi %mul3A_201, %add3A_202 : i32
        %get3A_204 = arith.index_cast %add3A_203 : i32 to index
        %get3A_205 = tpu.vector_load %arg6[%get3A_204] {strides = array<i32>} : memref<49152xf32, #tpu.memory_space<vmem>>, vector<16xf32>,
        %get3A_206 = arith.index_cast %add3A_203 : i32 to index
        %get3A_207 = tpu.vector_load %arg7[%get3A_206] {strides = array<i32>} : memref<49152xf32, #tpu.memory_space<vmem>>, vector<16xf32>,
        %mul3A_208 = arith.mulf %get3A_207, %gather3A : vector<16xf32>
        %add3A_209 = arith.addf %get3A_205, %mul3A_208 : vector<16xf32>
        %swap3A_210 = arith.index_cast %add3A_203 : i32 to index
        %swap3A_211 = tpu.vector_load %arg6[%swap3A_210] {strides = array<i32>} : memref<49152xf32, #tpu.memory_space<vmem>>, vector<16xf32>,
        tpu.vector_store %arg6[%swap3A_210], %add3A_209 {strides = array<i32>} : memref<49152xf32, #tpu.memory_space<vmem>>, vector<16xf32>,
        %mul3A_212 = arith.constant 768 : i32
        %mul3A_213 = arith.muli %scan3A_68, %mul3A_212 : i32
        %add3A_214 = arith.constant 192 : i32
        %add3A_215 = arith.addi %mul3A_213, %add3A_214 : i32
        %get3A_216 = arith.index_cast %add3A_215 : i32 to index
        %get3A_217 = tpu.vector_load %arg6[%get3A_216] {strides = array<i32>} : memref<49152xf32, #tpu.memory_space<vmem>>, vector<16xf32>,
        %get3A_218 = arith.index_cast %add3A_215 : i32 to index
        %get3A_219 = tpu.vector_load %arg7[%get3A_218] {strides = array<i32>} : memref<49152xf32, #tpu.memory_space<vmem>>, vector<16xf32>,
        %mul3A_220 = arith.mulf %get3A_219, %gather3A : vector<16xf32>
        %add3A_221 = arith.addf %get3A_217, %mul3A_220 : vector<16xf32>
        %swap3A_222 = arith.index_cast %add3A_215 : i32 to index
        %swap3A_223 = tpu.vector_load %arg6[%swap3A_222] {strides = array<i32>} : memref<49152xf32, #tpu.memory_space<vmem>>, vector<16xf32>,
        tpu.vector_store %arg6[%swap3A_222], %add3A_221 {strides = array<i32>} : memref<49152xf32, #tpu.memory_space<vmem>>, vector<16xf32>,
        %mul3A_224 = arith.constant 768 : i32
        %mul3A_225 = arith.muli %scan3A_68, %mul3A_224 : i32
        %add3A_226 = arith.constant 208 : i32
        %add3A_227 = arith.addi %mul3A_225, %add3A_226 : i32
        %get3A_228 = arith.index_cast %add3A_227 : i32 to index
        %get3A_229 = tpu.vector_load %arg6[%get3A_228] {strides = array<i32>} : memref<49152xf32, #tpu.memory_space<vmem>>, vector<16xf32>,
        %get3A_230 = arith.index_cast %add3A_227 : i32 to index
        %get3A_231 = tpu.vector_load %arg7[%get3A_230] {strides = array<i32>} : memref<49152xf32, #tpu.memory_space<vmem>>, vector<16xf32>,
        %mul3A_232 = arith.mulf %get3A_231, %gather3A : vector<16xf32>
        %add3A_233 = arith.addf %get3A_229, %mul3A_232 : vector<16xf32>
        %swap3A_234 = arith.index_cast %add3A_227 : i32 to index
        %swap3A_235 = tpu.vector_load %arg6[%swap3A_234] {strides = array<i32>} : memref<49152xf32, #tpu.memory_space<vmem>>, vector<16xf32>,
        tpu.vector_store %arg6[%swap3A_234], %add3A_233 {strides = array<i32>} : memref<49152xf32, #tpu.memory_space<vmem>>, vector<16xf32>,
        %mul3A_236 = arith.constant 768 : i32
        %mul3A_237 = arith.muli %scan3A_68, %mul3A_236 : i32
        %add3A_238 = arith.constant 224 : i32
        %add3A_239 = arith.addi %mul3A_237, %add3A_238 : i32
        %get3A_240 = arith.index_cast %add3A_239 : i32 to index
        %get3A_241 = tpu.vector_load %arg6[%get3A_240] {strides = array<i32>} : memref<49152xf32, #tpu.memory_space<vmem>>, vector<16xf32>,
        %get3A_242 = arith.index_cast %add3A_239 : i32 to index
        %get3A_243 = tpu.vector_load %arg7[%get3A_242] {strides = array<i32>} : memref<49152xf32, #tpu.memory_space<vmem>>, vector<16xf32>,
        %mul3A_244 = arith.mulf %get3A_243, %gather3A : vector<16xf32>
        %add3A_245 = arith.addf %get3A_241, %mul3A_244 : vector<16xf32>
        %swap3A_246 = arith.index_cast %add3A_239 : i32 to index
        %swap3A_247 = tpu.vector_load %arg6[%swap3A_246] {strides = array<i32>} : memref<49152xf32, #tpu.memory_space<vmem>>, vector<16xf32>,
        tpu.vector_store %arg6[%swap3A_246], %add3A_245 {strides = array<i32>} : memref<49152xf32, #tpu.memory_space<vmem>>, vector<16xf32>,
        %mul3A_248 = arith.constant 768 : i32
        %mul3A_249 = arith.muli %scan3A_68, %mul3A_248 : i32
        %add3A_250 = arith.constant 240 : i32
        %add3A_251 = arith.addi %mul3A_249, %add3A_250 : i32
        %get3A_252 = arith.index_cast %add3A_251 : i32 to index
        %get3A_253 = tpu.vector_load %arg6[%get3A_252] {strides = array<i32>} : memref<49152xf32, #tpu.memory_space<vmem>>, vector<16xf32>,
        %get3A_254 = arith.index_cast %add3A_251 : i32 to index
        %get3A_255 = tpu.vector_load %arg7[%get3A_254] {strides = array<i32>} : memref<49152xf32, #tpu.memory_space<vmem>>, vector<16xf32>,
        %mul3A_256 = arith.mulf %get3A_255, %gather3A : vector<16xf32>
        %add3A_257 = arith.addf %get3A_253, %mul3A_256 : vector<16xf32>
        %swap3A_258 = arith.index_cast %add3A_251 : i32 to index
        %swap3A_259 = tpu.vector_load %arg6[%swap3A_258] {strides = array<i32>} : memref<49152xf32, #tpu.memory_space<vmem>>, vector<16xf32>,
        tpu.vector_store %arg6[%swap3A_258], %add3A_257 {strides = array<i32>} : memref<49152xf32, #tpu.memory_space<vmem>>, vector<16xf32>,
        %mul3A_260 = arith.constant 768 : i32
        %mul3A_261 = arith.muli %scan3A_68, %mul3A_260 : i32
        %add3A_262 = arith.constant 256 : i32
        %add3A_263 = arith.addi %mul3A_261, %add3A_262 : i32
        %get3A_264 = arith.index_cast %add3A_263 : i32 to index
        %get3A_265 = tpu.vector_load %arg6[%get3A_264] {strides = array<i32>} : memref<49152xf32, #tpu.memory_space<vmem>>, vector<16xf32>,
        %get3A_266 = arith.index_cast %add3A_263 : i32 to index
        %get3A_267 = tpu.vector_load %arg7[%get3A_266] {strides = array<i32>} : memref<49152xf32, #tpu.memory_space<vmem>>, vector<16xf32>,
        %mul3A_268 = arith.mulf %get3A_267, %gather3A : vector<16xf32>
        %add3A_269 = arith.addf %get3A_265, %mul3A_268 : vector<16xf32>
        %swap3A_270 = arith.index_cast %add3A_263 : i32 to index
        %swap3A_271 = tpu.vector_load %arg6[%swap3A_270] {strides = array<i32>} : memref<49152xf32, #tpu.memory_space<vmem>>, vector<16xf32>,
        tpu.vector_store %arg6[%swap3A_270], %add3A_269 {strides = array<i32>} : memref<49152xf32, #tpu.memory_space<vmem>>, vector<16xf32>,
        %mul3A_272 = arith.constant 768 : i32
        %mul3A_273 = arith.muli %scan3A_68, %mul3A_272 : i32
        %add3A_274 = arith.constant 272 : i32
        %add3A_275 = arith.addi %mul3A_273, %add3A_274 : i32
        %get3A_276 = arith.index_cast %add3A_275 : i32 to index
        %get3A_277 = tpu.vector_load %arg6[%get3A_276] {strides = array<i32>} : memref<49152xf32, #tpu.memory_space<vmem>>, vector<16xf32>,
        %get3A_278 = arith.index_cast %add3A_275 : i32 to index
        %get3A_279 = tpu.vector_load %arg7[%get3A_278] {strides = array<i32>} : memref<49152xf32, #tpu.memory_space<vmem>>, vector<16xf32>,
        %mul3A_280 = arith.mulf %get3A_279, %gather3A : vector<16xf32>
        %add3A_281 = arith.addf %get3A_277, %mul3A_280 : vector<16xf32>
        %swap3A_282 = arith.index_cast %add3A_275 : i32 to index
        %swap3A_283 = tpu.vector_load %arg6[%swap3A_282] {strides = array<i32>} : memref<49152xf32, #tpu.memory_space<vmem>>, vector<16xf32>,
        tpu.vector_store %arg6[%swap3A_282], %add3A_281 {strides = array<i32>} : memref<49152xf32, #tpu.memory_space<vmem>>, vector<16xf32>,
        %mul3A_284 = arith.constant 768 : i32
        %mul3A_285 = arith.muli %scan3A_68, %mul3A_284 : i32
        %add3A_286 = arith.constant 288 : i32
        %add3A_287 = arith.addi %mul3A_285, %add3A_286 : i32
        %get3A_288 = arith.index_cast %add3A_287 : i32 to index
        %get3A_289 = tpu.vector_load %arg6[%get3A_288] {strides = array<i32>} : memref<49152xf32, #tpu.memory_space<vmem>>, vector<16xf32>,
        %get3A_290 = arith.index_cast %add3A_287 : i32 to index
        %get3A_291 = tpu.vector_load %arg7[%get3A_290] {strides = array<i32>} : memref<49152xf32, #tpu.memory_space<vmem>>, vector<16xf32>,
        %mul3A_292 = arith.mulf %get3A_291, %gather3A : vector<16xf32>
        %add3A_293 = arith.addf %get3A_289, %mul3A_292 : vector<16xf32>
        %swap3A_294 = arith.index_cast %add3A_287 : i32 to index
        %swap3A_295 = tpu.vector_load %arg6[%swap3A_294] {strides = array<i32>} : memref<49152xf32, #tpu.memory_space<vmem>>, vector<16xf32>,
        tpu.vector_store %arg6[%swap3A_294], %add3A_293 {strides = array<i32>} : memref<49152xf32, #tpu.memory_space<vmem>>, vector<16xf32>,
        %mul3A_296 = arith.constant 768 : i32
        %mul3A_297 = arith.muli %scan3A_68, %mul3A_296 : i32
        %add3A_298 = arith.constant 304 : i32
        %add3A_299 = arith.addi %mul3A_297, %add3A_298 : i32
        %get3A_300 = arith.index_cast %add3A_299 : i32 to index
        %get3A_301 = tpu.vector_load %arg6[%get3A_300] {strides = array<i32>} : memref<49152xf32, #tpu.memory_space<vmem>>, vector<16xf32>,
        %get3A_302 = arith.index_cast %add3A_299 : i32 to index
        %get3A_303 = tpu.vector_load %arg7[%get3A_302] {strides = array<i32>} : memref<49152xf32, #tpu.memory_space<vmem>>, vector<16xf32>,
        %mul3A_304 = arith.mulf %get3A_303, %gather3A : vector<16xf32>
        %add3A_305 = arith.addf %get3A_301, %mul3A_304 : vector<16xf32>
        %swap3A_306 = arith.index_cast %add3A_299 : i32 to index
        %swap3A_307 = tpu.vector_load %arg6[%swap3A_306] {strides = array<i32>} : memref<49152xf32, #tpu.memory_space<vmem>>, vector<16xf32>,
        tpu.vector_store %arg6[%swap3A_306], %add3A_305 {strides = array<i32>} : memref<49152xf32, #tpu.memory_space<vmem>>, vector<16xf32>,
        %mul3A_308 = arith.constant 768 : i32
        %mul3A_309 = arith.muli %scan3A_68, %mul3A_308 : i32
        %add3A_310 = arith.constant 320 : i32
        %add3A_311 = arith.addi %mul3A_309, %add3A_310 : i32
        %get3A_312 = arith.index_cast %add3A_311 : i32 to index
        %get3A_313 = tpu.vector_load %arg6[%get3A_312] {strides = array<i32>} : memref<49152xf32, #tpu.memory_space<vmem>>, vector<16xf32>,
        %get3A_314 = arith.index_cast %add3A_311 : i32 to index
        %get3A_315 = tpu.vector_load %arg7[%get3A_314] {strides = array<i32>} : memref<49152xf32, #tpu.memory_space<vmem>>, vector<16xf32>,
        %mul3A_316 = arith.mulf %get3A_315, %gather3A : vector<16xf32>
        %add3A_317 = arith.addf %get3A_313, %mul3A_316 : vector<16xf32>
        %swap3A_318 = arith.index_cast %add3A_311 : i32 to index
        %swap3A_319 = tpu.vector_load %arg6[%swap3A_318] {strides = array<i32>} : memref<49152xf32, #tpu.memory_space<vmem>>, vector<16xf32>,
        tpu.vector_store %arg6[%swap3A_318], %add3A_317 {strides = array<i32>} : memref<49152xf32, #tpu.memory_space<vmem>>, vector<16xf32>,
        %mul3A_320 = arith.constant 768 : i32
        %mul3A_321 = arith.muli %scan3A_68, %mul3A_320 : i32
        %add3A_322 = arith.constant 336 : i32
        %add3A_323 = arith.addi %mul3A_321, %add3A_322 : i32
        %get3A_324 = arith.index_cast %add3A_323 : i32 to index
        %get3A_325 = tpu.vector_load %arg6[%get3A_324] {strides = array<i32>} : memref<49152xf32, #tpu.memory_space<vmem>>, vector<16xf32>,
        %get3A_326 = arith.index_cast %add3A_323 : i32 to index
        %get3A_327 = tpu.vector_load %arg7[%get3A_326] {strides = array<i32>} : memref<49152xf32, #tpu.memory_space<vmem>>, vector<16xf32>,
        %mul3A_328 = arith.mulf %get3A_327, %gather3A : vector<16xf32>
        %add3A_329 = arith.addf %get3A_325, %mul3A_328 : vector<16xf32>
        %swap3A_330 = arith.index_cast %add3A_323 : i32 to index
        %swap3A_331 = tpu.vector_load %arg6[%swap3A_330] {strides = array<i32>} : memref<49152xf32, #tpu.memory_space<vmem>>, vector<16xf32>,
        tpu.vector_store %arg6[%swap3A_330], %add3A_329 {strides = array<i32>} : memref<49152xf32, #tpu.memory_space<vmem>>, vector<16xf32>,
        %mul3A_332 = arith.constant 768 : i32
        %mul3A_333 = arith.muli %scan3A_68, %mul3A_332 : i32
        %add3A_334 = arith.constant 352 : i32
        %add3A_335 = arith.addi %mul3A_333, %add3A_334 : i32
        %get3A_336 = arith.index_cast %add3A_335 : i32 to index
        %get3A_337 = tpu.vector_load %arg6[%get3A_336] {strides = array<i32>} : memref<49152xf32, #tpu.memory_space<vmem>>, vector<16xf32>,
        %get3A_338 = arith.index_cast %add3A_335 : i32 to index
        %get3A_339 = tpu.vector_load %arg7[%get3A_338] {strides = array<i32>} : memref<49152xf32, #tpu.memory_space<vmem>>, vector<16xf32>,
        %mul3A_340 = arith.mulf %get3A_339, %gather3A : vector<16xf32>
        %add3A_341 = arith.addf %get3A_337, %mul3A_340 : vector<16xf32>
        %swap3A_342 = arith.index_cast %add3A_335 : i32 to index
        %swap3A_343 = tpu.vector_load %arg6[%swap3A_342] {strides = array<i32>} : memref<49152xf32, #tpu.memory_space<vmem>>, vector<16xf32>,
        tpu.vector_store %arg6[%swap3A_342], %add3A_341 {strides = array<i32>} : memref<49152xf32, #tpu.memory_space<vmem>>, vector<16xf32>,
        %mul3A_344 = arith.constant 768 : i32
        %mul3A_345 = arith.muli %scan3A_68, %mul3A_344 : i32
        %add3A_346 = arith.constant 368 : i32
        %add3A_347 = arith.addi %mul3A_345, %add3A_346 : i32
        %get3A_348 = arith.index_cast %add3A_347 : i32 to index
        %get3A_349 = tpu.vector_load %arg6[%get3A_348] {strides = array<i32>} : memref<49152xf32, #tpu.memory_space<vmem>>, vector<16xf32>,
        %get3A_350 = arith.index_cast %add3A_347 : i32 to index
        %get3A_351 = tpu.vector_load %arg7[%get3A_350] {strides = array<i32>} : memref<49152xf32, #tpu.memory_space<vmem>>, vector<16xf32>,
        %mul3A_352 = arith.mulf %get3A_351, %gather3A : vector<16xf32>
        %add3A_353 = arith.addf %get3A_349, %mul3A_352 : vector<16xf32>
        %swap3A_354 = arith.index_cast %add3A_347 : i32 to index
        %swap3A_355 = tpu.vector_load %arg6[%swap3A_354] {strides = array<i32>} : memref<49152xf32, #tpu.memory_space<vmem>>, vector<16xf32>,
        tpu.vector_store %arg6[%swap3A_354], %add3A_353 {strides = array<i32>} : memref<49152xf32, #tpu.memory_space<vmem>>, vector<16xf32>,
        %mul3A_356 = arith.constant 768 : i32
        %mul3A_357 = arith.muli %scan3A_68, %mul3A_356 : i32
        %add3A_358 = arith.constant 384 : i32
        %add3A_359 = arith.addi %mul3A_357, %add3A_358 : i32
        %get3A_360 = arith.index_cast %add3A_359 : i32 to index
        %get3A_361 = tpu.vector_load %arg6[%get3A_360] {strides = array<i32>} : memref<49152xf32, #tpu.memory_space<vmem>>, vector<16xf32>,
        %get3A_362 = arith.index_cast %add3A_359 : i32 to index
        %get3A_363 = tpu.vector_load %arg7[%get3A_362] {strides = array<i32>} : memref<49152xf32, #tpu.memory_space<vmem>>, vector<16xf32>,
        %mul3A_364 = arith.mulf %get3A_363, %gather3A : vector<16xf32>
        %add3A_365 = arith.addf %get3A_361, %mul3A_364 : vector<16xf32>
        %swap3A_366 = arith.index_cast %add3A_359 : i32 to index
        %swap3A_367 = tpu.vector_load %arg6[%swap3A_366] {strides = array<i32>} : memref<49152xf32, #tpu.memory_space<vmem>>, vector<16xf32>,
        tpu.vector_store %arg6[%swap3A_366], %add3A_365 {strides = array<i32>} : memref<49152xf32, #tpu.memory_space<vmem>>, vector<16xf32>,
        %mul3A_368 = arith.constant 768 : i32
        %mul3A_369 = arith.muli %scan3A_68, %mul3A_368 : i32
        %add3A_370 = arith.constant 400 : i32
        %add3A_371 = arith.addi %mul3A_369, %add3A_370 : i32
        %get3A_372 = arith.index_cast %add3A_371 : i32 to index
        %get3A_373 = tpu.vector_load %arg6[%get3A_372] {strides = array<i32>} : memref<49152xf32, #tpu.memory_space<vmem>>, vector<16xf32>,
        %get3A_374 = arith.index_cast %add3A_371 : i32 to index
        %get3A_375 = tpu.vector_load %arg7[%get3A_374] {strides = array<i32>} : memref<49152xf32, #tpu.memory_space<vmem>>, vector<16xf32>,
        %mul3A_376 = arith.mulf %get3A_375, %gather3A : vector<16xf32>
        %add3A_377 = arith.addf %get3A_373, %mul3A_376 : vector<16xf32>
        %swap3A_378 = arith.index_cast %add3A_371 : i32 to index
        %swap3A_379 = tpu.vector_load %arg6[%swap3A_378] {strides = array<i32>} : memref<49152xf32, #tpu.memory_space<vmem>>, vector<16xf32>,
        tpu.vector_store %arg6[%swap3A_378], %add3A_377 {strides = array<i32>} : memref<49152xf32, #tpu.memory_space<vmem>>, vector<16xf32>,
        %mul3A_380 = arith.constant 768 : i32
        %mul3A_381 = arith.muli %scan3A_68, %mul3A_380 : i32
        %add3A_382 = arith.constant 416 : i32
        %add3A_383 = arith.addi %mul3A_381, %add3A_382 : i32
        %get3A_384 = arith.index_cast %add3A_383 : i32 to index
        %get3A_385 = tpu.vector_load %arg6[%get3A_384] {strides = array<i32>} : memref<49152xf32, #tpu.memory_space<vmem>>, vector<16xf32>,
        %get3A_386 = arith.index_cast %add3A_383 : i32 to index
        %get3A_387 = tpu.vector_load %arg7[%get3A_386] {strides = array<i32>} : memref<49152xf32, #tpu.memory_space<vmem>>, vector<16xf32>,
        %mul3A_388 = arith.mulf %get3A_387, %gather3A : vector<16xf32>
        %add3A_389 = arith.addf %get3A_385, %mul3A_388 : vector<16xf32>
        %swap3A_390 = arith.index_cast %add3A_383 : i32 to index
        %swap3A_391 = tpu.vector_load %arg6[%swap3A_390] {strides = array<i32>} : memref<49152xf32, #tpu.memory_space<vmem>>, vector<16xf32>,
        tpu.vector_store %arg6[%swap3A_390], %add3A_389 {strides = array<i32>} : memref<49152xf32, #tpu.memory_space<vmem>>, vector<16xf32>,
        %mul3A_392 = arith.constant 768 : i32
        %mul3A_393 = arith.muli %scan3A_68, %mul3A_392 : i32
        %add3A_394 = arith.constant 432 : i32
        %add3A_395 = arith.addi %mul3A_393, %add3A_394 : i32
        %get3A_396 = arith.index_cast %add3A_395 : i32 to index
        %get3A_397 = tpu.vector_load %arg6[%get3A_396] {strides = array<i32>} : memref<49152xf32, #tpu.memory_space<vmem>>, vector<16xf32>,
        %get3A_398 = arith.index_cast %add3A_395 : i32 to index
        %get3A_399 = tpu.vector_load %arg7[%get3A_398] {strides = array<i32>} : memref<49152xf32, #tpu.memory_space<vmem>>, vector<16xf32>,
        %mul3A_400 = arith.mulf %get3A_399, %gather3A : vector<16xf32>
        %add3A_401 = arith.addf %get3A_397, %mul3A_400 : vector<16xf32>
        %swap3A_402 = arith.index_cast %add3A_395 : i32 to index
        %swap3A_403 = tpu.vector_load %arg6[%swap3A_402] {strides = array<i32>} : memref<49152xf32, #tpu.memory_space<vmem>>, vector<16xf32>,
        tpu.vector_store %arg6[%swap3A_402], %add3A_401 {strides = array<i32>} : memref<49152xf32, #tpu.memory_space<vmem>>, vector<16xf32>,
        %mul3A_404 = arith.constant 768 : i32
        %mul3A_405 = arith.muli %scan3A_68, %mul3A_404 : i32
        %add3A_406 = arith.constant 448 : i32
        %add3A_407 = arith.addi %mul3A_405, %add3A_406 : i32
        %get3A_408 = arith.index_cast %add3A_407 : i32 to index
        %get3A_409 = tpu.vector_load %arg6[%get3A_408] {strides = array<i32>} : memref<49152xf32, #tpu.memory_space<vmem>>, vector<16xf32>,
        %get3A_410 = arith.index_cast %add3A_407 : i32 to index
        %get3A_411 = tpu.vector_load %arg7[%get3A_410] {strides = array<i32>} : memref<49152xf32, #tpu.memory_space<vmem>>, vector<16xf32>,
        %mul3A_412 = arith.mulf %get3A_411, %gather3A : vector<16xf32>
        %add3A_413 = arith.addf %get3A_409, %mul3A_412 : vector<16xf32>
        %swap3A_414 = arith.index_cast %add3A_407 : i32 to index
        %swap3A_415 = tpu.vector_load %arg6[%swap3A_414] {strides = array<i32>} : memref<49152xf32, #tpu.memory_space<vmem>>, vector<16xf32>,
        tpu.vector_store %arg6[%swap3A_414], %add3A_413 {strides = array<i32>} : memref<49152xf32, #tpu.memory_space<vmem>>, vector<16xf32>,
        %mul3A_416 = arith.constant 768 : i32
        %mul3A_417 = arith.muli %scan3A_68, %mul3A_416 : i32
        %add3A_418 = arith.constant 464 : i32
        %add3A_419 = arith.addi %mul3A_417, %add3A_418 : i32
        %get3A_420 = arith.index_cast %add3A_419 : i32 to index
        %get3A_421 = tpu.vector_load %arg6[%get3A_420] {strides = array<i32>} : memref<49152xf32, #tpu.memory_space<vmem>>, vector<16xf32>,
        %get3A_422 = arith.index_cast %add3A_419 : i32 to index
        %get3A_423 = tpu.vector_load %arg7[%get3A_422] {strides = array<i32>} : memref<49152xf32, #tpu.memory_space<vmem>>, vector<16xf32>,
        %mul3A_424 = arith.mulf %get3A_423, %gather3A : vector<16xf32>
        %add3A_425 = arith.addf %get3A_421, %mul3A_424 : vector<16xf32>
        %swap3A_426 = arith.index_cast %add3A_419 : i32 to index
        %swap3A_427 = tpu.vector_load %arg6[%swap3A_426] {strides = array<i32>} : memref<49152xf32, #tpu.memory_space<vmem>>, vector<16xf32>,
        tpu.vector_store %arg6[%swap3A_426], %add3A_425 {strides = array<i32>} : memref<49152xf32, #tpu.memory_space<vmem>>, vector<16xf32>,
        %mul3A_428 = arith.constant 768 : i32
        %mul3A_429 = arith.muli %scan3A_68, %mul3A_428 : i32
        %add3A_430 = arith.constant 480 : i32
        %add3A_431 = arith.addi %mul3A_429, %add3A_430 : i32
        %get3A_432 = arith.index_cast %add3A_431 : i32 to index
        %get3A_433 = tpu.vector_load %arg6[%get3A_432] {strides = array<i32>} : memref<49152xf32, #tpu.memory_space<vmem>>, vector<16xf32>,
        %get3A_434 = arith.index_cast %add3A_431 : i32 to index
        %get3A_435 = tpu.vector_load %arg7[%get3A_434] {strides = array<i32>} : memref<49152xf32, #tpu.memory_space<vmem>>, vector<16xf32>,
        %mul3A_436 = arith.mulf %get3A_435, %gather3A : vector<16xf32>
        %add3A_437 = arith.addf %get3A_433, %mul3A_436 : vector<16xf32>
        %swap3A_438 = arith.index_cast %add3A_431 : i32 to index
        %swap3A_439 = tpu.vector_load %arg6[%swap3A_438] {strides = array<i32>} : memref<49152xf32, #tpu.memory_space<vmem>>, vector<16xf32>,
        tpu.vector_store %arg6[%swap3A_438], %add3A_437 {strides = array<i32>} : memref<49152xf32, #tpu.memory_space<vmem>>, vector<16xf32>,
        %mul3A_440 = arith.constant 768 : i32
        %mul3A_441 = arith.muli %scan3A_68, %mul3A_440 : i32
        %add3A_442 = arith.constant 496 : i32
        %add3A_443 = arith.addi %mul3A_441, %add3A_442 : i32
        %get3A_444 = arith.index_cast %add3A_443 : i32 to index
        %get3A_445 = tpu.vector_load %arg6[%get3A_444] {strides = array<i32>} : memref<49152xf32, #tpu.memory_space<vmem>>, vector<16xf32>,
        %get3A_446 = arith.index_cast %add3A_443 : i32 to index
        %get3A_447 = tpu.vector_load %arg7[%get3A_446] {strides = array<i32>} : memref<49152xf32, #tpu.memory_space<vmem>>, vector<16xf32>,
        %mul3A_448 = arith.mulf %get3A_447, %gather3A : vector<16xf32>
        %add3A_449 = arith.addf %get3A_445, %mul3A_448 : vector<16xf32>
        %swap3A_450 = arith.index_cast %add3A_443 : i32 to index
        %swap3A_451 = tpu.vector_load %arg6[%swap3A_450] {strides = array<i32>} : memref<49152xf32, #tpu.memory_space<vmem>>, vector<16xf32>,
        tpu.vector_store %arg6[%swap3A_450], %add3A_449 {strides = array<i32>} : memref<49152xf32, #tpu.memory_space<vmem>>, vector<16xf32>,
        %mul3A_452 = arith.constant 768 : i32
        %mul3A_453 = arith.muli %scan3A_68, %mul3A_452 : i32
        %add3A_454 = arith.constant 512 : i32
        %add3A_455 = arith.addi %mul3A_453, %add3A_454 : i32
        %get3A_456 = arith.index_cast %add3A_455 : i32 to index
        %get3A_457 = tpu.vector_load %arg6[%get3A_456] {strides = array<i32>} : memref<49152xf32, #tpu.memory_space<vmem>>, vector<16xf32>,
        %get3A_458 = arith.index_cast %add3A_455 : i32 to index
        %get3A_459 = tpu.vector_load %arg7[%get3A_458] {strides = array<i32>} : memref<49152xf32, #tpu.memory_space<vmem>>, vector<16xf32>,
        %mul3A_460 = arith.mulf %get3A_459, %gather3A : vector<16xf32>
        %add3A_461 = arith.addf %get3A_457, %mul3A_460 : vector<16xf32>
        %swap3A_462 = arith.index_cast %add3A_455 : i32 to index
        %swap3A_463 = tpu.vector_load %arg6[%swap3A_462] {strides = array<i32>} : memref<49152xf32, #tpu.memory_space<vmem>>, vector<16xf32>,
        tpu.vector_store %arg6[%swap3A_462], %add3A_461 {strides = array<i32>} : memref<49152xf32, #tpu.memory_space<vmem>>, vector<16xf32>,
        %mul3A_464 = arith.constant 768 : i32
        %mul3A_465 = arith.muli %scan3A_68, %mul3A_464 : i32
        %add3A_466 = arith.constant 528 : i32
        %add3A_467 = arith.addi %mul3A_465, %add3A_466 : i32
        %get3A_468 = arith.index_cast %add3A_467 : i32 to index
        %get3A_469 = tpu.vector_load %arg6[%get3A_468] {strides = array<i32>} : memref<49152xf32, #tpu.memory_space<vmem>>, vector<16xf32>,
        %get3A_470 = arith.index_cast %add3A_467 : i32 to index
        %get3A_471 = tpu.vector_load %arg7[%get3A_470] {strides = array<i32>} : memref<49152xf32, #tpu.memory_space<vmem>>, vector<16xf32>,
        %mul3A_472 = arith.mulf %get3A_471, %gather3A : vector<16xf32>
        %add3A_473 = arith.addf %get3A_469, %mul3A_472 : vector<16xf32>
        %swap3A_474 = arith.index_cast %add3A_467 : i32 to index
        %swap3A_475 = tpu.vector_load %arg6[%swap3A_474] {strides = array<i32>} : memref<49152xf32, #tpu.memory_space<vmem>>, vector<16xf32>,
        tpu.vector_store %arg6[%swap3A_474], %add3A_473 {strides = array<i32>} : memref<49152xf32, #tpu.memory_space<vmem>>, vector<16xf32>,
        %mul3A_476 = arith.constant 768 : i32
        %mul3A_477 = arith.muli %scan3A_68, %mul3A_476 : i32
        %add3A_478 = arith.constant 544 : i32
        %add3A_479 = arith.addi %mul3A_477, %add3A_478 : i32
        %get3A_480 = arith.index_cast %add3A_479 : i32 to index
        %get3A_481 = tpu.vector_load %arg6[%get3A_480] {strides = array<i32>} : memref<49152xf32, #tpu.memory_space<vmem>>, vector<16xf32>,
        %get3A_482 = arith.index_cast %add3A_479 : i32 to index
        %get3A_483 = tpu.vector_load %arg7[%get3A_482] {strides = array<i32>} : memref<49152xf32, #tpu.memory_space<vmem>>, vector<16xf32>,
        %mul3A_484 = arith.mulf %get3A_483, %gather3A : vector<16xf32>
        %add3A_485 = arith.addf %get3A_481, %mul3A_484 : vector<16xf32>
        %swap3A_486 = arith.index_cast %add3A_479 : i32 to index
        %swap3A_487 = tpu.vector_load %arg6[%swap3A_486] {strides = array<i32>} : memref<49152xf32, #tpu.memory_space<vmem>>, vector<16xf32>,
        tpu.vector_store %arg6[%swap3A_486], %add3A_485 {strides = array<i32>} : memref<49152xf32, #tpu.memory_space<vmem>>, vector<16xf32>,
        %mul3A_488 = arith.constant 768 : i32
        %mul3A_489 = arith.muli %scan3A_68, %mul3A_488 : i32
        %add3A_490 = arith.constant 560 : i32
        %add3A_491 = arith.addi %mul3A_489, %add3A_490 : i32
        %get3A_492 = arith.index_cast %add3A_491 : i32 to index
        %get3A_493 = tpu.vector_load %arg6[%get3A_492] {strides = array<i32>} : memref<49152xf32, #tpu.memory_space<vmem>>, vector<16xf32>,
        %get3A_494 = arith.index_cast %add3A_491 : i32 to index
        %get3A_495 = tpu.vector_load %arg7[%get3A_494] {strides = array<i32>} : memref<49152xf32, #tpu.memory_space<vmem>>, vector<16xf32>,
        %mul3A_496 = arith.mulf %get3A_495, %gather3A : vector<16xf32>
        %add3A_497 = arith.addf %get3A_493, %mul3A_496 : vector<16xf32>
        %swap3A_498 = arith.index_cast %add3A_491 : i32 to index
        %swap3A_499 = tpu.vector_load %arg6[%swap3A_498] {strides = array<i32>} : memref<49152xf32, #tpu.memory_space<vmem>>, vector<16xf32>,
        tpu.vector_store %arg6[%swap3A_498], %add3A_497 {strides = array<i32>} : memref<49152xf32, #tpu.memory_space<vmem>>, vector<16xf32>,
        %mul3A_500 = arith.constant 768 : i32
        %mul3A_501 = arith.muli %scan3A_68, %mul3A_500 : i32
        %add3A_502 = arith.constant 576 : i32
        %add3A_503 = arith.addi %mul3A_501, %add3A_502 : i32
        %get3A_504 = arith.index_cast %add3A_503 : i32 to index
        %get3A_505 = tpu.vector_load %arg6[%get3A_504] {strides = array<i32>} : memref<49152xf32, #tpu.memory_space<vmem>>, vector<16xf32>,
        %get3A_506 = arith.index_cast %add3A_503 : i32 to index
        %get3A_507 = tpu.vector_load %arg7[%get3A_506] {strides = array<i32>} : memref<49152xf32, #tpu.memory_space<vmem>>, vector<16xf32>,
        %mul3A_508 = arith.mulf %get3A_507, %gather3A : vector<16xf32>
        %add3A_509 = arith.addf %get3A_505, %mul3A_508 : vector<16xf32>
        %swap3A_510 = arith.index_cast %add3A_503 : i32 to index
        %swap3A_511 = tpu.vector_load %arg6[%swap3A_510] {strides = array<i32>} : memref<49152xf32, #tpu.memory_space<vmem>>, vector<16xf32>,
        tpu.vector_store %arg6[%swap3A_510], %add3A_509 {strides = array<i32>} : memref<49152xf32, #tpu.memory_space<vmem>>, vector<16xf32>,
        %mul3A_512 = arith.constant 768 : i32
        %mul3A_513 = arith.muli %scan3A_68, %mul3A_512 : i32
        %add3A_514 = arith.constant 592 : i32
        %add3A_515 = arith.addi %mul3A_513, %add3A_514 : i32
        %get3A_516 = arith.index_cast %add3A_515 : i32 to index
        %get3A_517 = tpu.vector_load %arg6[%get3A_516] {strides = array<i32>} : memref<49152xf32, #tpu.memory_space<vmem>>, vector<16xf32>,
        %get3A_518 = arith.index_cast %add3A_515 : i32 to index
        %get3A_519 = tpu.vector_load %arg7[%get3A_518] {strides = array<i32>} : memref<49152xf32, #tpu.memory_space<vmem>>, vector<16xf32>,
        %mul3A_520 = arith.mulf %get3A_519, %gather3A : vector<16xf32>
        %add3A_521 = arith.addf %get3A_517, %mul3A_520 : vector<16xf32>
        %swap3A_522 = arith.index_cast %add3A_515 : i32 to index
        %swap3A_523 = tpu.vector_load %arg6[%swap3A_522] {strides = array<i32>} : memref<49152xf32, #tpu.memory_space<vmem>>, vector<16xf32>,
        tpu.vector_store %arg6[%swap3A_522], %add3A_521 {strides = array<i32>} : memref<49152xf32, #tpu.memory_space<vmem>>, vector<16xf32>,
        %mul3A_524 = arith.constant 768 : i32
        %mul3A_525 = arith.muli %scan3A_68, %mul3A_524 : i32
        %add3A_526 = arith.constant 608 : i32
        %add3A_527 = arith.addi %mul3A_525, %add3A_526 : i32
        %get3A_528 = arith.index_cast %add3A_527 : i32 to index
        %get3A_529 = tpu.vector_load %arg6[%get3A_528] {strides = array<i32>} : memref<49152xf32, #tpu.memory_space<vmem>>, vector<16xf32>,
        %get3A_530 = arith.index_cast %add3A_527 : i32 to index
        %get3A_531 = tpu.vector_load %arg7[%get3A_530] {strides = array<i32>} : memref<49152xf32, #tpu.memory_space<vmem>>, vector<16xf32>,
        %mul3A_532 = arith.mulf %get3A_531, %gather3A : vector<16xf32>
        %add3A_533 = arith.addf %get3A_529, %mul3A_532 : vector<16xf32>
        %swap3A_534 = arith.index_cast %add3A_527 : i32 to index
        %swap3A_535 = tpu.vector_load %arg6[%swap3A_534] {strides = array<i32>} : memref<49152xf32, #tpu.memory_space<vmem>>, vector<16xf32>,
        tpu.vector_store %arg6[%swap3A_534], %add3A_533 {strides = array<i32>} : memref<49152xf32, #tpu.memory_space<vmem>>, vector<16xf32>,
        %mul3A_536 = arith.constant 768 : i32
        %mul3A_537 = arith.muli %scan3A_68, %mul3A_536 : i32
        %add3A_538 = arith.constant 624 : i32
        %add3A_539 = arith.addi %mul3A_537, %add3A_538 : i32
        %get3A_540 = arith.index_cast %add3A_539 : i32 to index
        %get3A_541 = tpu.vector_load %arg6[%get3A_540] {strides = array<i32>} : memref<49152xf32, #tpu.memory_space<vmem>>, vector<16xf32>,
        %get3A_542 = arith.index_cast %add3A_539 : i32 to index
        %get3A_543 = tpu.vector_load %arg7[%get3A_542] {strides = array<i32>} : memref<49152xf32, #tpu.memory_space<vmem>>, vector<16xf32>,
        %mul3A_544 = arith.mulf %get3A_543, %gather3A : vector<16xf32>
        %add3A_545 = arith.addf %get3A_541, %mul3A_544 : vector<16xf32>
        %swap3A_546 = arith.index_cast %add3A_539 : i32 to index
        %swap3A_547 = tpu.vector_load %arg6[%swap3A_546] {strides = array<i32>} : memref<49152xf32, #tpu.memory_space<vmem>>, vector<16xf32>,
        tpu.vector_store %arg6[%swap3A_546], %add3A_545 {strides = array<i32>} : memref<49152xf32, #tpu.memory_space<vmem>>, vector<16xf32>,
        %mul3A_548 = arith.constant 768 : i32
        %mul3A_549 = arith.muli %scan3A_68, %mul3A_548 : i32
        %add3A_550 = arith.constant 640 : i32
        %add3A_551 = arith.addi %mul3A_549, %add3A_550 : i32
        %get3A_552 = arith.index_cast %add3A_551 : i32 to index
        %get3A_553 = tpu.vector_load %arg6[%get3A_552] {strides = array<i32>} : memref<49152xf32, #tpu.memory_space<vmem>>, vector<16xf32>,
        %get3A_554 = arith.index_cast %add3A_551 : i32 to index
        %get3A_555 = tpu.vector_load %arg7[%get3A_554] {strides = array<i32>} : memref<49152xf32, #tpu.memory_space<vmem>>, vector<16xf32>,
        %mul3A_556 = arith.mulf %get3A_555, %gather3A : vector<16xf32>
        %add3A_557 = arith.addf %get3A_553, %mul3A_556 : vector<16xf32>
        %swap3A_558 = arith.index_cast %add3A_551 : i32 to index
        %swap3A_559 = tpu.vector_load %arg6[%swap3A_558] {strides = array<i32>} : memref<49152xf32, #tpu.memory_space<vmem>>, vector<16xf32>,
        tpu.vector_store %arg6[%swap3A_558], %add3A_557 {strides = array<i32>} : memref<49152xf32, #tpu.memory_space<vmem>>, vector<16xf32>,
        %mul3A_560 = arith.constant 768 : i32
        %mul3A_561 = arith.muli %scan3A_68, %mul3A_560 : i32
        %add3A_562 = arith.constant 656 : i32
        %add3A_563 = arith.addi %mul3A_561, %add3A_562 : i32
        %get3A_564 = arith.index_cast %add3A_563 : i32 to index
        %get3A_565 = tpu.vector_load %arg6[%get3A_564] {strides = array<i32>} : memref<49152xf32, #tpu.memory_space<vmem>>, vector<16xf32>,
        %get3A_566 = arith.index_cast %add3A_563 : i32 to index
        %get3A_567 = tpu.vector_load %arg7[%get3A_566] {strides = array<i32>} : memref<49152xf32, #tpu.memory_space<vmem>>, vector<16xf32>,
        %mul3A_568 = arith.mulf %get3A_567, %gather3A : vector<16xf32>
        %add3A_569 = arith.addf %get3A_565, %mul3A_568 : vector<16xf32>
        %swap3A_570 = arith.index_cast %add3A_563 : i32 to index
        %swap3A_571 = tpu.vector_load %arg6[%swap3A_570] {strides = array<i32>} : memref<49152xf32, #tpu.memory_space<vmem>>, vector<16xf32>,
        tpu.vector_store %arg6[%swap3A_570], %add3A_569 {strides = array<i32>} : memref<49152xf32, #tpu.memory_space<vmem>>, vector<16xf32>,
        %mul3A_572 = arith.constant 768 : i32
        %mul3A_573 = arith.muli %scan3A_68, %mul3A_572 : i32
        %add3A_574 = arith.constant 672 : i32
        %add3A_575 = arith.addi %mul3A_573, %add3A_574 : i32
        %get3A_576 = arith.index_cast %add3A_575 : i32 to index
        %get3A_577 = tpu.vector_load %arg6[%get3A_576] {strides = array<i32>} : memref<49152xf32, #tpu.memory_space<vmem>>, vector<16xf32>,
        %get3A_578 = arith.index_cast %add3A_575 : i32 to index
        %get3A_579 = tpu.vector_load %arg7[%get3A_578] {strides = array<i32>} : memref<49152xf32, #tpu.memory_space<vmem>>, vector<16xf32>,
        %mul3A_580 = arith.mulf %get3A_579, %gather3A : vector<16xf32>
        %add3A_581 = arith.addf %get3A_577, %mul3A_580 : vector<16xf32>
        %swap3A_582 = arith.index_cast %add3A_575 : i32 to index
        %swap3A_583 = tpu.vector_load %arg6[%swap3A_582] {strides = array<i32>} : memref<49152xf32, #tpu.memory_space<vmem>>, vector<16xf32>,
        tpu.vector_store %arg6[%swap3A_582], %add3A_581 {strides = array<i32>} : memref<49152xf32, #tpu.memory_space<vmem>>, vector<16xf32>,
        %mul3A_584 = arith.constant 768 : i32
        %mul3A_585 = arith.muli %scan3A_68, %mul3A_584 : i32
        %add3A_586 = arith.constant 688 : i32
        %add3A_587 = arith.addi %mul3A_585, %add3A_586 : i32
        %get3A_588 = arith.index_cast %add3A_587 : i32 to index
        %get3A_589 = tpu.vector_load %arg6[%get3A_588] {strides = array<i32>} : memref<49152xf32, #tpu.memory_space<vmem>>, vector<16xf32>,
        %get3A_590 = arith.index_cast %add3A_587 : i32 to index
        %get3A_591 = tpu.vector_load %arg7[%get3A_590] {strides = array<i32>} : memref<49152xf32, #tpu.memory_space<vmem>>, vector<16xf32>,
        %mul3A_592 = arith.mulf %get3A_591, %gather3A : vector<16xf32>
        %add3A_593 = arith.addf %get3A_589, %mul3A_592 : vector<16xf32>
        %swap3A_594 = arith.index_cast %add3A_587 : i32 to index
        %swap3A_595 = tpu.vector_load %arg6[%swap3A_594] {strides = array<i32>} : memref<49152xf32, #tpu.memory_space<vmem>>, vector<16xf32>,
        tpu.vector_store %arg6[%swap3A_594], %add3A_593 {strides = array<i32>} : memref<49152xf32, #tpu.memory_space<vmem>>, vector<16xf32>,
        %mul3A_596 = arith.constant 768 : i32
        %mul3A_597 = arith.muli %scan3A_68, %mul3A_596 : i32
        %add3A_598 = arith.constant 704 : i32
        %add3A_599 = arith.addi %mul3A_597, %add3A_598 : i32
        %get3A_600 = arith.index_cast %add3A_599 : i32 to index
        %get3A_601 = tpu.vector_load %arg6[%get3A_600] {strides = array<i32>} : memref<49152xf32, #tpu.memory_space<vmem>>, vector<16xf32>,
        %get3A_602 = arith.index_cast %add3A_599 : i32 to index
        %get3A_603 = tpu.vector_load %arg7[%get3A_602] {strides = array<i32>} : memref<49152xf32, #tpu.memory_space<vmem>>, vector<16xf32>,
        %mul3A_604 = arith.mulf %get3A_603, %gather3A : vector<16xf32>
        %add3A_605 = arith.addf %get3A_601, %mul3A_604 : vector<16xf32>
        %swap3A_606 = arith.index_cast %add3A_599 : i32 to index
        %swap3A_607 = tpu.vector_load %arg6[%swap3A_606] {strides = array<i32>} : memref<49152xf32, #tpu.memory_space<vmem>>, vector<16xf32>,
        tpu.vector_store %arg6[%swap3A_606], %add3A_605 {strides = array<i32>} : memref<49152xf32, #tpu.memory_space<vmem>>, vector<16xf32>,
        %mul3A_608 = arith.constant 768 : i32
        %mul3A_609 = arith.muli %scan3A_68, %mul3A_608 : i32
        %add3A_610 = arith.constant 720 : i32
        %add3A_611 = arith.addi %mul3A_609, %add3A_610 : i32
        %get3A_612 = arith.index_cast %add3A_611 : i32 to index
        %get3A_613 = tpu.vector_load %arg6[%get3A_612] {strides = array<i32>} : memref<49152xf32, #tpu.memory_space<vmem>>, vector<16xf32>,
        %get3A_614 = arith.index_cast %add3A_611 : i32 to index
        %get3A_615 = tpu.vector_load %arg7[%get3A_614] {strides = array<i32>} : memref<49152xf32, #tpu.memory_space<vmem>>, vector<16xf32>,
        %mul3A_616 = arith.mulf %get3A_615, %gather3A : vector<16xf32>
        %add3A_617 = arith.addf %get3A_613, %mul3A_616 : vector<16xf32>
        %swap3A_618 = arith.index_cast %add3A_611 : i32 to index
        %swap3A_619 = tpu.vector_load %arg6[%swap3A_618] {strides = array<i32>} : memref<49152xf32, #tpu.memory_space<vmem>>, vector<16xf32>,
        tpu.vector_store %arg6[%swap3A_618], %add3A_617 {strides = array<i32>} : memref<49152xf32, #tpu.memory_space<vmem>>, vector<16xf32>,
        %mul3A_620 = arith.constant 768 : i32
        %mul3A_621 = arith.muli %scan3A_68, %mul3A_620 : i32
        %add3A_622 = arith.constant 736 : i32
        %add3A_623 = arith.addi %mul3A_621, %add3A_622 : i32
        %get3A_624 = arith.index_cast %add3A_623 : i32 to index
        %get3A_625 = tpu.vector_load %arg6[%get3A_624] {strides = array<i32>} : memref<49152xf32, #tpu.memory_space<vmem>>, vector<16xf32>,
        %get3A_626 = arith.index_cast %add3A_623 : i32 to index
        %get3A_627 = tpu.vector_load %arg7[%get3A_626] {strides = array<i32>} : memref<49152xf32, #tpu.memory_space<vmem>>, vector<16xf32>,
        %mul3A_628 = arith.mulf %get3A_627, %gather3A : vector<16xf32>
        %add3A_629 = arith.addf %get3A_625, %mul3A_628 : vector<16xf32>
        %swap3A_630 = arith.index_cast %add3A_623 : i32 to index
        %swap3A_631 = tpu.vector_load %arg6[%swap3A_630] {strides = array<i32>} : memref<49152xf32, #tpu.memory_space<vmem>>, vector<16xf32>,
        tpu.vector_store %arg6[%swap3A_630], %add3A_629 {strides = array<i32>} : memref<49152xf32, #tpu.memory_space<vmem>>, vector<16xf32>,
        %mul3A_632 = arith.constant 768 : i32
        %mul3A_633 = arith.muli %scan3A_68, %mul3A_632 : i32
        %add3A_634 = arith.constant 752 : i32
        %add3A_635 = arith.addi %mul3A_633, %add3A_634 : i32
        %get3A_636 = arith.index_cast %add3A_635 : i32 to index
        %get3A_637 = tpu.vector_load %arg6[%get3A_636] {strides = array<i32>} : memref<49152xf32, #tpu.memory_space<vmem>>, vector<16xf32>,
        %get3A_638 = arith.index_cast %add3A_635 : i32 to index
        %get3A_639 = tpu.vector_load %arg7[%get3A_638] {strides = array<i32>} : memref<49152xf32, #tpu.memory_space<vmem>>, vector<16xf32>,
        %mul3A_640 = arith.mulf %get3A_639, %gather3A : vector<16xf32>
        %add3A_641 = arith.addf %get3A_637, %mul3A_640 : vector<16xf32>
        %swap3A_642 = arith.index_cast %add3A_635 : i32 to index
        %swap3A_643 = tpu.vector_load %arg6[%swap3A_642] {strides = array<i32>} : memref<49152xf32, #tpu.memory_space<vmem>>, vector<16xf32>,
        tpu.vector_store %arg6[%swap3A_642], %add3A_641 {strides = array<i32>} : memref<49152xf32, #tpu.memory_space<vmem>>, vector<16xf32>,
        %scan3A_644 = arith.constant 0 : i32
        scf.yield %scan3A_644 : i32
      }
      %scan3A_59 = arith.constant 64 : i32
      %mul3A_60 = arith.constant 4096 : i32
      %mul3A_61 = arith.muli %select_n3A, %mul3A_60 : i32
      %mul3A_62 = arith.constant 768 : i32
      %mul3A_63 = arith.muli %mul3A_61, %mul3A_62 : i32
      %mul3A_64 = arith.constant 768 : i32
      %mul3A_65 = arith.muli %add3A_43, %mul3A_64 : i32
      %add3A_66 = arith.addi %mul3A_63, %mul3A_65 : i32
      "tpu.region"() ({
        %run_scoped3A = tpu.sem_alloc : memref<!tpu.dma_semaphore, #tpu.memory_space<semaphore_mem>>
        %dma_start3A = tpu.memref_slice %arg5[%add3A_66] : memref<50331648xf32, #tpu.memory_space<hbm>> -> memref<49152xf32, #tpu.memory_space<hbm>>
        %dma_start3A_68 = tpu.memref_slice %arg5[%add3A_66] : memref<50331648xf32, #tpu.memory_space<hbm>> -> memref<49152xf32, #tpu.memory_space<hbm>>
        tpu.enqueue_dma source(%arg6 : memref<49152xf32, #tpu.memory_space<vmem>>) target(%dma_start3A_68 : memref<49152xf32, #tpu.memory_space<hbm>>) target_semaphore(%run_scoped3A : memref<!tpu.dma_semaphore, #tpu.memory_space<semaphore_mem>>)
        %dma_wait3A = tpu.memref_slice %arg5[%add3A_66] : memref<50331648xf32, #tpu.memory_space<hbm>> -> memref<49152xf32, #tpu.memory_space<hbm>>
        %dma_wait3A_69 = tpu.memref_slice %arg5[%add3A_66] : memref<50331648xf32, #tpu.memory_space<hbm>> -> memref<49152xf32, #tpu.memory_space<hbm>>
        tpu.wait_dma2 semaphore(%run_scoped3A : memref<!tpu.dma_semaphore, #tpu.memory_space<semaphore_mem>>) src(%arg6 : memref<49152xf32, #tpu.memory_space<vmem>>) dst(%dma_wait3A_69 : memref<49152xf32, #tpu.memory_space<hbm>>)
        tpu.yield
      }) : () -> ()
      %scan3A_67 = arith.constant 0 : i32
      scf.yield %scan3A_67 : i32
    }
    %scan3A_36 = arith.constant 32 : i32
    return
  }
}

</mosaic_0001>

<sc_bundles>
// kernel: kernel.3.cloned.1.call-start
scs
__scs_entry_jumppad:
0x0: {  	(pc) =	sbr.rel $0x88, $3  }
0x1: {  	(tag) =	ssettag $0x0;
	lr =	simm.s32 $0x1  }
0x2: {  	[smem:$0x3F9E] =	sst lr;
	_ =	strace $0xD0000000  }
0x3: {  	_ = 	snop  }
0x4: {  	_ = 	snop  }
0x5: {  	_ = 	snop  }
0x6: {  	_ = 	snop  }
0x7: {  	_ = 	snop  }
__scs_overlays_trampoline_lowered:
0x8: {  	[smem:$0x3FAD] =	sst s0  }
0x9: {  	[smem:$0x3FAE] =	sst s1  }
0xa: {  	[smem:$0x3FAF] =	sst s2  }
0xb: {  	[smem:$0x3FB0] =	sst s3  }
0xc: {  	[smem:$0x3FB1] =	sst s4  }
0xd: {  	[smem:$0x3FB2] =	sst s5  }
0xe: {  	[smem:$0x3FB3] =	sst s6  }
0xf: {  	[smem:$0x3FB4] =	sst s7  }
0x10: {  	[smem:$0x3FB5] =	sst s8  }
0x11: {  	[smem:$0x3FB6] =	sst s9;
	s0 =	simm.s32 @!p0 $0x0  }
0x12: {  	s1 =	sld [smem:$0x3F9C];
	s0 =	simm.s32 @p0 $0x1  }
0x13: {  	[smem:$0x3FB7] =	sst s0;
	s0 =	simm.s32 @!p1 $0x0  }
0x14: {  	s2 =	sld [smem:$0x3F9B];
	s0 =	simm.s32 @p1 $0x1  }
0x15: {  	[smem:$0x3FB8] =	sst s0;
	s0 =	simm.s32 @!p2 $0x0  }
0x16: {  	s3 =	sld [smem:$0x3FDB];
	s0 =	simm.s32 @p2 $0x1  }
0x17: {  	s4 =	simm.s32 $0x1BF5;
	[smem:$0x3FBA] =	sst s0  }
0x18: {  	s0 =	sld [smem:$0x3F9D];
	_ =	swait.ge [sflag:s4], $0x0  }
0x19: {  	s7 =	sld [smem:$0x3F9E]  }
0x1a: {  	s8 =	sadd.s32 $0xFFFFE003, lr  }
0x1b: {  	s9 =	sadd.s32 $0xFFFFFEF7, lr;
	s5 =	simm.s32 $0xFFFFFFFF;
	p2 =	slt.u32 s8, $0xFFFFF086  }
0x1c: {  	p1 =	slt.u32 s9, $0xF7A;
	s5 =	simm.s32 @!p2 $0x0  }
0x1d: {  	s5 =	simm.s32 @p1 $0x1;
	p0 =	seq.s32 s7, s2  }
0x1e: {  	s7 =	smul.u32 @!p0 $0xF7A, s2;
	p2 =	seq.s32 @!p0 s5, $0x0  }
0x1f: {  	s9 =	smul.u32 $0xF7A, s1;
	s8 =	simm.s32 @!p0 $0x1BF5;
	p2 =	por !p2, p0  }
0x20: {  	[sflag:s8] =	ssyncset.s32 @!p0 $0xFFFFF086;
	s6 =	sadd.s32 @!p0 s3, s7;
	s7 =	simm.s32 @!p0 $0x108  }
0x21: {  	s3 =	sadd.s32 s3, s9;
	s6 =	sadd.s32 @!p0 $0x88, s6;
	s7 =	simm.s32 @p2 $0x1082  }
0x22: {  	[simem:s7], [sflag:s8] =	dma.local @!p0 [hbm:s6], $0xF7A  }
0x23: {  	s9 =	sor.u32 $0xD0000000, s2;
	s6 =	simm.s32 $0x108;
	_ =	swait.ge @!p0 [sflag:s8], $0x0  }
0x24: {  	s3 =	sadd.s32 $0x88, s3;
	s6 =	simm.s32 @!p1 $0x1082;
	[sflag:s4] =	ssyncset.s32 $0xFFFFF086  }
0x25: {  	[simem:s6], [sflag:s4] =	dma.local [hbm:s3], $0xF7A  }
0x26: {  	[smem:$0x3F9E] =	sst s1;
	(tag) =	ssettag s2;
	_ =	strace s9  }
0x27: {  	s1 =	sld [smem:$0x3FAE]  }
0x28: {  	s2 =	sld [smem:$0x3FAF]  }
0x29: {  	s4 =	sld [smem:$0x3FB1]  }
0x2a: {  	p0 =	seq.s32 s5, $0x0;
	s5 =	sld [smem:$0x3FB2]  }
0x2b: {  	s6 =	sld [smem:$0x3FB3]  }
0x2c: {  	s7 =	sld [smem:$0x3FB4]  }
0x2d: {  	s3 =	simm.s32 $0x108;
	s8 =	sld [smem:$0x3FB5]  }
0x2e: {  	s3 =	simm.s32 @!p0 $0x1082;
	s9 =	sld [smem:$0x3FB6]  }
0x2f: {  	lr =	sadd.s32 s0, s3;
	s0 =	sld [smem:$0x3FAD]  }
0x30: {  	s3 =	sld [smem:$0x3FB0]  }
0x31: {  	[smem:$0x3FB9] =	sst s10  }
0x32: {  	s10 =	sld [smem:$0x3FB7];
	_ =	sdelay $0x3  }
0x33: {  	p0 =	seq.s32 s10, $0x1;
	s10 =	sld [smem:$0x3FB9];
	_ =	sdelay $0x3  }
0x34: {  	[smem:$0x3FB9] =	sst s10  }
0x35: {  	s10 =	sld [smem:$0x3FB8];
	_ =	sdelay $0x3  }
0x36: {  	p1 =	seq.s32 s10, $0x1;
	s10 =	sld [smem:$0x3FB9];
	_ =	sdelay $0x3  }
0x37: {  	[smem:$0x3FB9] =	sst s10  }
0x38: {  	s10 =	sld [smem:$0x3FBA]  }
0x39: {  	_ = 	snop;
	(pc) =	sbr.ind lr, $3  }
0x3a: {  	_ = 	snop  }
0x3b: {  	_ = 	snop  }
0x3c: {  	p2 =	seq.s32 s10, $0x1;
	s10 =	sld [smem:$0x3FB9]  }
0x3d: {  	_ =	shalt  }
0x3e: {  	_ =	shalt  }
0x3f: {  	_ =	shalt  }
0x40: {  	_ =	shalt  }
0x41: {  	_ =	shalt  }
0x42: {  	_ =	shalt  }
0x43: {  	_ =	shalt  }
0x44: {  	_ =	shalt  }
0x45: {  	_ =	shalt  }
0x46: {  	_ =	shalt  }
0x47: {  	_ =	shalt  }
0x48: {  	_ =	shalt  }
0x49: {  	_ =	shalt  }
0x4a: {  	_ =	shalt  }
0x4b: {  	_ =	shalt  }
0x4c: {  	_ =	shalt  }
0x4d: {  	_ =	shalt  }
0x4e: {  	_ =	shalt  }
0x4f: {  	_ =	shalt  }
0x50: {  	_ =	shalt  }
0x51: {  	_ =	shalt  }
0x52: {  	_ =	shalt  }
0x53: {  	_ =	shalt  }
0x54: {  	_ =	shalt  }
0x55: {  	_ =	shalt  }
0x56: {  	_ =	shalt  }
0x57: {  	_ =	shalt  }
0x58: {  	_ =	shalt  }
0x59: {  	_ =	shalt  }
0x5a: {  	_ =	shalt  }
0x5b: {  	_ =	shalt  }
0x5c: {  	_ =	shalt  }
0x5d: {  	_ =	shalt  }
0x5e: {  	_ =	shalt  }
0x5f: {  	_ =	shalt  }
0x60: {  	_ =	shalt  }
0x61: {  	_ =	shalt  }
0x62: {  	_ =	shalt  }
0x63: {  	_ =	shalt  }
0x64: {  	_ =	shalt  }
0x65: {  	_ =	shalt  }
0x66: {  	_ =	shalt  }
0x67: {  	_ =	shalt  }
0x68: {  	_ =	shalt  }
0x69: {  	_ =	shalt  }
0x6a: {  	_ =	shalt  }
0x6b: {  	_ =	shalt  }
0x6c: {  	_ =	shalt  }
0x6d: {  	_ =	shalt  }
0x6e: {  	_ =	shalt  }
0x6f: {  	_ =	shalt  }
0x70: {  	_ =	shalt  }
0x71: {  	_ =	shalt  }
0x72: {  	_ =	shalt  }
0x73: {  	_ =	shalt  }
0x74: {  	_ =	shalt  }
0x75: {  	_ =	shalt  }
0x76: {  	_ =	shalt  }
0x77: {  	_ =	shalt  }
0x78: {  	_ =	shalt  }
0x79: {  	_ =	shalt  }
0x7a: {  	_ =	shalt  }
0x7b: {  	_ =	shalt  }
0x7c: {  	_ =	shalt  }
0x7d: {  	_ =	shalt  }
0x7e: {  	_ =	shalt  }
0x7f: {  	_ =	shalt  }
0x80: {  	_ =	shalt  }
0x81: {  	_ =	shalt  }
0x82: {  	_ =	shalt  }
0x83: {  	_ =	shalt  }
0x84: {  	_ =	shalt  }
0x85: {  	_ =	shalt  }
0x86: {  	_ =	shalt  }
0x87: {  	_ =	shalt  }
.Lfunc_end0:
.L_simem_size_0:
called_computation_lowered:
.L_overlay_start_0:
0x88: {  	s2 =	sld [smem:$0x3FD9]  }
0x89: {  	s3 =	sld [smem:$0x3FFE];
	_ =	sdelay $0x1  }
0x8a: {  	s1 =	srdreg.scid  }
0x8b: {  	s0 =	sand.u32 $0x1, s1  }
0x8c: {  	s17 =	sshll.u32 s0, $0xA;
	s2 =	sadd.s32 s3, s2  }
0x8d: {  	s2 =	sadd.s32 s2, s17  }
0x8e: {  	[smem:$0x3FC5] =	sst s2  }
0x8f: {  	_ = 	snop  }
0x90: {  	s2 =	sld [smem:$0x3FD0];
	(tm) =	ssettm $0x1  }
0x91: {  	s18 =	sld [smem:$0x3FFB];
	_ =	sdelay $0x3  }
0x92: {  	_ =	strace s18  }
0x93: {  	s3 =	sld [smem:$0x3FFC];
	_ =	sdelay $0x3  }
0x94: {  	_ =	strace s3  }
0x95: {  	s3 =	sld [smem:$0x3FFD];
	_ =	sdelay $0x3  }
0x96: {  	_ =	strace s3  }
0x97: {  	_ =	strace $0x8FFFFFFF  }
0x98: {  	s19 =	sld [smem:$0x3FDB];
	_ =	sdelay $0x1  }
0x99: {  	s4 =	simm.s32 $_scs_section_size  }
0x9a: {  	s5 =	simm.s32 $_size__tile_overlayer_lowered;
	s6 =	simm.s32 $_tile_overlayer_lowered  }
0x9b: {  	s22 =	simm.s32 $0x1BFF;
	s21 =	sshll.u32 s6, $0x1;
	s3 =	sadd.s32 s4, s19  }
0x9c: {  	s7 =	simm.s32 $0x0;
	s20 =	sshll.u32 s5, $0x1;
	s5 =	sadd.s32 s21, s3  }
0x9d: {  	[timem:s7], [sflag:s22] =	dma.local [hbm:s5], s20  }
0x9e: {  	_ =	swait.ge [sflag:s22], s20  }
0x9f: {  	s4 =	ssub.s32 $0x0, s20;
	[sflag:s22] =	ssyncset.done $0x0  }
0xa0: {  	[sflag:s22] =	ssyncadd.s32 s4;
	_ =	sdelay $0x1  }
0xa1: {  	s23 =	simm.s32 $0x1B8B  }
0xa2: {  	_ =	swait.ge [sflag:s23], $0x1  }
0xa3: {  	[sflag:s23] =	ssyncset.done $0x0  }
0xa4: {  	s25 =	simm.s32 $0x1B8E;
	s24 =	sld [smem:$0x3FFE];
	[sflag:s23] =	ssyncadd.s32 $0xFFFFFFFF  }
0xa5: {  	s26 =	simm.s32 $execute0_lowered;
	[smem:$0x3FD2] =	sst s25  }
0xa6: {  	s5 =	sshll.u32 s26, $0x1;
	_ =	strace $0x80000046;
	[dreg:$0x1] =	wrdreg $0xFFFFFFFF  }
0xa7: {  	s28 =	simm.s32 $_size_execute0_lowered;
	s3 =	sadd.s32 s3, s5;
	[dreg:$0x0] =	wrdreg $0x0  }
0xa8: {  	s5 =	sshll.u32 s28, $0x1;
	[dreg:$0x2] =	wrdreg s3  }
0xa9: {  	[dreg:$0x3] =	wrdreg s5  }
0xaa: {  	[dreg:$0x4] =	wrdreg $0xC0  }
0xab: {  	_ =	task [dreg:s7], $0x5FFFF  }
0xac: {  	[dreg:$0x1] =	wrdreg $0xFFFFFFFF  }
0xad: {  	[dreg:$0x0] =	wrdreg $0x60  }
0xae: {  	[dreg:$0x2] =	wrdreg s2  }
0xaf: {  	[dreg:$0x3] =	wrdreg s24  }
0xb0: {  	[dreg:$0x4] =	wrdreg $0x9  }
0xb1: {  	_ =	task.clear_ibuf [dreg:s7], $0x5FFFF;
	_ =	strace $0x90000046  }
0xb2: {  	s29 =	simm.s32 $0x9;
	_ =	strace $0x80000048  }
0xb3: {  	_ =	swait.ge [sflag:s29], $0x1  }
0xb4: {  	[sflag:s29] =	ssyncadd.s32 $0xFFFFFFFF  }
0xb5: {  	_ =	strace $0x90000048  }
0xb6: {  	_ =	sfence  }
0xb7: {  	s30 =	sld [smem:$0x0];
	_ =	sdelay $0x2  }
0xb8: {  	s31 =	sshll.u32 s1, $0xD;
	s1 =	sshrl.u32 s1, $0x2  }
0xb9: {  	s3 =	sand.u32 $0x4000, s31;
	s1 =	sadd.s32 s1, s30  }
0xba: {  	s0 =	sor.u32 s3, s0;
	s1 =	sshll.u32 s1, $0x11  }
0xbb: {  	s0 =	sor.u32 s1, s0  }
0xbc: {  	s0 =	sadd.s32 $0x8F2B, s0  }
0xbd: {  	[sflag:s0] =	ssyncadd.remote.s32 $0x1  }
0xbe: {  	_ =	sfence.sel $0xFFFF  }
0xbf: {  	[dreg:$0x0] =	wrdreg $0xFFFFFFFF;
	(pc) =	sbr.abs _section_cstart, $3  }
0xc0: {  	[dreg:$0x1] =	wrdreg $0xFFFFFFFF  }
0xc1: {  	_ =	task.clear_ibuf [dreg:s7], $0x2FFFF;
	_ =	strace $0x9FFFFFFF  }
0xc2: {  	(tm) =	ssettm $0x7FFFFFFF  }
0xc3: {  	_ =	shalt  }
tec
execute0_lowered:
.L_overlay_start_1:
0x0: {  	(tag) =	ssettag $0x1  }
0x1: {  	s1 =	rddreg [dreg:$0x0]  }
0x2: {  	s6 =	rddreg [dreg:$0x1]  }
0x3: {  	s0 =	rddreg [dreg:$0x2];
	s4 =	srdreg.scid  }
0x4: {  	s3 =	simm.s32 $0x0;
	s2 =	stileid.u32;
	s9 =	simm.s32 $0x1  }
0x5: {  	s11 =	simm.s32 $0xC000;
	s12 =	simm.s32 $0x18000;
	s8 =	sand.u32 $0x1, s4  }
0x6: {  	s13 =	simm.s32 $0x0;
	s19 =	simm.s32 $0x0;
	s4 =	sor.u32 s8, s2  }
0x7: {  	[smem:$0x7FF] =	sst s3;
	p1 =	seq.s32 s8, $0x1;
	p0 =	seq.s32 s4, $0x0  }
0x8: {  	s5 =	sadd.s32 $0x600, s6;
	_ =	strace $0x80000047;
	p0 =	por !p0, !p1  }
0x9: {  	s7 =	ssub.s32 $0x2, s8;
	s8 =	sshll.u32 s8, $0xB;
	p0 =	por !p0, !p0  }
0xa: {  	s4 =	sadd.s32 $0x400, s6;
	s10 =	sshrl.u32 s7, $0x1;
	s9 =	simm.s32 @!p0 $0x0  }
0xb: {  	s6 =	sadd.s32 $0x60600, s6;
	s10 =	ssub.s32 s7, s10;
	s9 =	ssub.s32 s2, s9  }
0xc: {  	s7 =	simm.s32 $0x1;
	s10 =	smax.u32 s10, $0x1;
	s9 =	smul.u32 $0x300000, s9  }
.LBB2_1:
0xd: {  	s14 =	simm.s32 $0x0  }
.LBB2_2:
0xe: {  	s15 =	sshll.u32 s14, $0x6  }
0xf: {  	s16 =	sadd.s32 s8, s15  }
0x10: {  	s17 =	smul.u32 $0x300, s16;
	_ =	sdelay $0x1  }
0x11: {  	s30 =	sadd.s32 s9, s17  }
0x12: {  	s15 =	sshrl.u32 s30, $0x3  }
0x13: {  	s18 =	sadd.s32 s1, s15  }
0x14: {  	[tilespmem:s19], [sflag:$0x1] =	stream.linear.gather [hbm4b:s18+s19], $0xC000, $0x38;
	[tilespmem:$0x18080] =	vst v63  }
0x15: {  	_ =	swait.ge [sflag:s7], $0xC000  }
0x16: {  	s17 =	sshrl.u32 s17, $0x3;
	[sflag:s7] =	ssyncset.done $0x0  }
0x17: {  	s17 =	sadd.s32 s5, s17;
	[sflag:s7] =	ssyncadd.s32 $0xFFFF4000  }
0x18: {  	[tilespmem:s11], [sflag:$0x1] =	stream.linear.gather [hbm4b:s17+s19], $0xC000, $0x38;
	[tilespmem:$0x18080] =	vst v63  }
0x19: {  	_ =	swait.ge [sflag:s7], $0xC000  }
0x1a: {  	s16 =	sshrl.u32 s16, $0x3;
	[sflag:s7] =	ssyncset.done $0x0  }
0x1b: {  	v0 =	vmov s19;
	s16 =	sadd.s32 s4, s16;
	[sflag:s7] =	ssyncadd.s32 $0xFFFF4000  }
0x1c: {  	[tilespmem:s12], [sflag:$0x1] =	stream.linear.gather [hbm4b:s16+s19], $0x40, $0x38;
	[tilespmem:$0x18080] =	vst v63  }
0x1d: {  	_ =	swait.ge [sflag:s7], $0x40  }
0x1e: {  	[sflag:s7] =	ssyncset.done $0x0  }
0x1f: {  	[sflag:s7] =	ssyncadd.s32 $0xFFFFFFC0  }
0x20: {  	s16 =	simm.s32 $0xC180;
	v0 =	vld.idx.msk [tilespmem:v0+s12+$0x0], $0xffff  }
0x21: {  	v1 =	vld [tilespmem:s16+$0xFFFFFE80]  }
0x22: {  	s17 =	simm.s32 $0x180  }
0x23: {  	v2 =	vld [tilespmem:s17+$0xFFFFFE80];
	_ =	sdelay $0x2  }
0x24: {  	v1 =	vmul.f32 v1, v0;
	_ =	sdelay $0x1  }
0x25: {  	v1 =	vadd.f32 v1, v2;
	_ =	sdelay $0x1  }
0x26: {  	[tilespmem:s17+$0xFFFFFE80] =	vst v1  }
0x27: {  	v1 =	vld [tilespmem:s16+$0xFFFFFE90];
	_ =	sdelay $0x1  }
0x28: {  	v2 =	vld [tilespmem:s17+$0xFFFFFE90];
	_ =	sdelay $0x2  }
0x29: {  	v1 =	vmul.f32 v1, v0;
	_ =	sdelay $0x1  }
0x2a: {  	v1 =	vadd.f32 v1, v2;
	_ =	sdelay $0x1  }
0x2b: {  	[tilespmem:s17+$0xFFFFFE90] =	vst v1  }
0x2c: {  	v1 =	vld [tilespmem:s16+$0xFFFFFEA0];
	_ =	sdelay $0x1  }
0x2d: {  	v2 =	vld [tilespmem:s17+$0xFFFFFEA0];
	_ =	sdelay $0x2  }
0x2e: {  	v1 =	vmul.f32 v1, v0;
	_ =	sdelay $0x1  }
0x2f: {  	v1 =	vadd.f32 v1, v2;
	_ =	sdelay $0x1  }
0x30: {  	[tilespmem:s17+$0xFFFFFEA0] =	vst v1  }
0x31: {  	v1 =	vld [tilespmem:s16+$0xFFFFFEB0];
	_ =	sdelay $0x1  }
0x32: {  	v2 =	vld [tilespmem:s17+$0xFFFFFEB0];
	_ =	sdelay $0x2  }
0x33: {  	v1 =	vmul.f32 v1, v0;
	_ =	sdelay $0x1  }
0x34: {  	v1 =	vadd.f32 v1, v2;
	_ =	sdelay $0x1  }
0x35: {  	[tilespmem:s17+$0xFFFFFEB0] =	vst v1  }
0x36: {  	v1 =	vld [tilespmem:s16+$0xFFFFFEC0];
	_ =	sdelay $0x1  }
0x37: {  	v2 =	vld [tilespmem:s17+$0xFFFFFEC0];
	_ =	sdelay $0x2  }
0x38: {  	v1 =	vmul.f32 v1, v0;
	_ =	sdelay $0x1  }
0x39: {  	v1 =	vadd.f32 v1, v2;
	_ =	sdelay $0x1  }
0x3a: {  	[tilespmem:s17+$0xFFFFFEC0] =	vst v1  }
0x3b: {  	v1 =	vld [tilespmem:s16+$0xFFFFFED0];
	_ =	sdelay $0x1  }
0x3c: {  	v2 =	vld [tilespmem:s17+$0xFFFFFED0];
	_ =	sdelay $0x2  }
0x3d: {  	v1 =	vmul.f32 v1, v0;
	_ =	sdelay $0x1  }
0x3e: {  	v1 =	vadd.f32 v1, v2;
	_ =	sdelay $0x1  }
0x3f: {  	[tilespmem:s17+$0xFFFFFED0] =	vst v1  }
0x40: {  	v1 =	vld [tilespmem:s16+$0xFFFFFEE0];
	_ =	sdelay $0x1  }
0x41: {  	v2 =	vld [tilespmem:s17+$0xFFFFFEE0];
	_ =	sdelay $0x2  }
0x42: {  	v1 =	vmul.f32 v1, v0;
	_ =	sdelay $0x1  }
0x43: {  	v1 =	vadd.f32 v1, v2;
	_ =	sdelay $0x1  }
0x44: {  	[tilespmem:s17+$0xFFFFFEE0] =	vst v1  }
0x45: {  	v1 =	vld [tilespmem:s16+$0xFFFFFEF0];
	_ =	sdelay $0x1  }
0x46: {  	v2 =	vld [tilespmem:s17+$0xFFFFFEF0];
	_ =	sdelay $0x2  }
0x47: {  	v1 =	vmul.f32 v1, v0;
	_ =	sdelay $0x1  }
0x48: {  	v1 =	vadd.f32 v1, v2;
	_ =	sdelay $0x1  }
0x49: {  	[tilespmem:s17+$0xFFFFFEF0] =	vst v1  }
0x4a: {  	v1 =	vld [tilespmem:s16+$0xFFFFFF00];
	_ =	sdelay $0x1  }
0x4b: {  	v2 =	vld [tilespmem:s17+$0xFFFFFF00];
	_ =	sdelay $0x2  }
0x4c: {  	v1 =	vmul.f32 v1, v0;
	_ =	sdelay $0x1  }
0x4d: {  	v1 =	vadd.f32 v1, v2;
	_ =	sdelay $0x1  }
0x4e: {  	[tilespmem:s17+$0xFFFFFF00] =	vst v1  }
0x4f: {  	v1 =	vld [tilespmem:s16+$0xFFFFFF10];
	_ =	sdelay $0x1  }
0x50: {  	v2 =	vld [tilespmem:s17+$0xFFFFFF10];
	_ =	sdelay $0x2  }
0x51: {  	v1 =	vmul.f32 v1, v0;
	_ =	sdelay $0x1  }
0x52: {  	v1 =	vadd.f32 v1, v2;
	_ =	sdelay $0x1  }
0x53: {  	[tilespmem:s17+$0xFFFFFF10] =	vst v1  }
0x54: {  	v1 =	vld [tilespmem:s16+$0xFFFFFF20];
	_ =	sdelay $0x1  }
0x55: {  	v2 =	vld [tilespmem:s17+$0xFFFFFF20];
	_ =	sdelay $0x2  }
0x56: {  	v1 =	vmul.f32 v1, v0;
	_ =	sdelay $0x1  }
0x57: {  	v1 =	vadd.f32 v1, v2;
	_ =	sdelay $0x1  }
0x58: {  	[tilespmem:s17+$0xFFFFFF20] =	vst v1  }
0x59: {  	v1 =	vld [tilespmem:s16+$0xFFFFFF30];
	_ =	sdelay $0x1  }
0x5a: {  	v2 =	vld [tilespmem:s17+$0xFFFFFF30];
	_ =	sdelay $0x2  }
0x5b: {  	v1 =	vmul.f32 v1, v0;
	_ =	sdelay $0x1  }
0x5c: {  	v1 =	vadd.f32 v1, v2;
	_ =	sdelay $0x1  }
0x5d: {  	[tilespmem:s17+$0xFFFFFF30] =	vst v1  }
0x5e: {  	v1 =	vld [tilespmem:s16+$0xFFFFFF40];
	_ =	sdelay $0x1  }
0x5f: {  	v2 =	vld [tilespmem:s17+$0xFFFFFF40];
	_ =	sdelay $0x2  }
0x60: {  	v1 =	vmul.f32 v1, v0;
	_ =	sdelay $0x1  }
0x61: {  	v1 =	vadd.f32 v1, v2;
	_ =	sdelay $0x1  }
0x62: {  	[tilespmem:s17+$0xFFFFFF40] =	vst v1  }
0x63: {  	v1 =	vld [tilespmem:s16+$0xFFFFFF50];
	_ =	sdelay $0x1  }
0x64: {  	v2 =	vld [tilespmem:s17+$0xFFFFFF50];
	_ =	sdelay $0x2  }
0x65: {  	v1 =	vmul.f32 v1, v0;
	_ =	sdelay $0x1  }
0x66: {  	v1 =	vadd.f32 v1, v2;
	_ =	sdelay $0x1  }
0x67: {  	[tilespmem:s17+$0xFFFFFF50] =	vst v1  }
0x68: {  	v1 =	vld [tilespmem:s16+$0xFFFFFF60];
	_ =	sdelay $0x1  }
0x69: {  	v2 =	vld [tilespmem:s17+$0xFFFFFF60];
	_ =	sdelay $0x2  }
0x6a: {  	v1 =	vmul.f32 v1, v0;
	_ =	sdelay $0x1  }
0x6b: {  	v1 =	vadd.f32 v1, v2;
	_ =	sdelay $0x1  }
0x6c: {  	[tilespmem:s17+$0xFFFFFF60] =	vst v1  }
0x6d: {  	v1 =	vld [tilespmem:s16+$0xFFFFFF70];
	_ =	sdelay $0x1  }
0x6e: {  	v2 =	vld [tilespmem:s17+$0xFFFFFF70];
	_ =	sdelay $0x2  }
0x6f: {  	v1 =	vmul.f32 v1, v0;
	_ =	sdelay $0x1  }
0x70: {  	v1 =	vadd.f32 v1, v2;
	_ =	sdelay $0x1  }
0x71: {  	[tilespmem:s17+$0xFFFFFF70] =	vst v1  }
0x72: {  	v1 =	vld [tilespmem:s16+$0xFFFFFF80];
	_ =	sdelay $0x1  }
0x73: {  	v2 =	vld [tilespmem:s17+$0xFFFFFF80];
	_ =	sdelay $0x2  }
0x74: {  	v1 =	vmul.f32 v1, v0;
	_ =	sdelay $0x1  }
0x75: {  	v1 =	vadd.f32 v1, v2;
	_ =	sdelay $0x1  }
0x76: {  	[tilespmem:s17+$0xFFFFFF80] =	vst v1  }
0x77: {  	v1 =	vld [tilespmem:s16+$0xFFFFFF90];
	_ =	sdelay $0x1  }
0x78: {  	v2 =	vld [tilespmem:s17+$0xFFFFFF90];
	_ =	sdelay $0x2  }
0x79: {  	v1 =	vmul.f32 v1, v0;
	_ =	sdelay $0x1  }
0x7a: {  	v1 =	vadd.f32 v1, v2;
	_ =	sdelay $0x1  }
0x7b: {  	[tilespmem:s17+$0xFFFFFF90] =	vst v1  }
0x7c: {  	v1 =	vld [tilespmem:s16+$0xFFFFFFA0];
	_ =	sdelay $0x1  }
0x7d: {  	v2 =	vld [tilespmem:s17+$0xFFFFFFA0];
	_ =	sdelay $0x2  }
0x7e: {  	v1 =	vmul.f32 v1, v0;
	_ =	sdelay $0x1  }
0x7f: {  	v1 =	vadd.f32 v1, v2;
	_ =	sdelay $0x1  }
0x80: {  	[tilespmem:s17+$0xFFFFFFA0] =	vst v1  }
0x81: {  	v1 =	vld [tilespmem:s16+$0xFFFFFFB0];
	_ =	sdelay $0x1  }
0x82: {  	v2 =	vld [tilespmem:s17+$0xFFFFFFB0];
	_ =	sdelay $0x2  }
0x83: {  	v1 =	vmul.f32 v1, v0;
	_ =	sdelay $0x1  }
0x84: {  	v1 =	vadd.f32 v1, v2;
	_ =	sdelay $0x1  }
0x85: {  	[tilespmem:s17+$0xFFFFFFB0] =	vst v1  }
0x86: {  	v1 =	vld [tilespmem:s16+$0xFFFFFFC0];
	_ =	sdelay $0x1  }
0x87: {  	v2 =	vld [tilespmem:s17+$0xFFFFFFC0];
	_ =	sdelay $0x2  }
0x88: {  	v1 =	vmul.f32 v1, v0;
	_ =	sdelay $0x1  }
0x89: {  	v1 =	vadd.f32 v1, v2;
	_ =	sdelay $0x1  }
0x8a: {  	[tilespmem:s17+$0xFFFFFFC0] =	vst v1  }
0x8b: {  	v1 =	vld [tilespmem:s16+$0xFFFFFFD0];
	_ =	sdelay $0x1  }
0x8c: {  	v2 =	vld [tilespmem:s17+$0xFFFFFFD0];
	_ =	sdelay $0x2  }
0x8d: {  	v1 =	vmul.f32 v1, v0;
	_ =	sdelay $0x1  }
0x8e: {  	v1 =	vadd.f32 v1, v2;
	_ =	sdelay $0x1  }
0x8f: {  	[tilespmem:s17+$0xFFFFFFD0] =	vst v1  }
0x90: {  	v1 =	vld [tilespmem:s16+$0xFFFFFFE0];
	_ =	sdelay $0x1  }
0x91: {  	v2 =	vld [tilespmem:s17+$0xFFFFFFE0];
	_ =	sdelay $0x2  }
0x92: {  	v1 =	vmul.f32 v1, v0;
	_ =	sdelay $0x1  }
0x93: {  	v1 =	vadd.f32 v1, v2;
	_ =	sdelay $0x1  }
0x94: {  	[tilespmem:s17+$0xFFFFFFE0] =	vst v1  }
0x95: {  	v1 =	vld [tilespmem:s16+$0xFFFFFFF0];
	_ =	sdelay $0x1  }
0x96: {  	v2 =	vld [tilespmem:s17+$0xFFFFFFF0];
	_ =	sdelay $0x2  }
0x97: {  	v1 =	vmul.f32 v1, v0;
	_ =	sdelay $0x1  }
0x98: {  	v1 =	vadd.f32 v1, v2;
	_ =	sdelay $0x1  }
0x99: {  	[tilespmem:s17+$0xFFFFFFF0] =	vst v1  }
0x9a: {  	v1 =	vld [tilespmem:s16+$0x0];
	_ =	sdelay $0x1  }
0x9b: {  	v2 =	vld [tilespmem:s17+$0x0];
	_ =	sdelay $0x2  }
0x9c: {  	v1 =	vmul.f32 v1, v0;
	_ =	sdelay $0x1  }
0x9d: {  	v1 =	vadd.f32 v1, v2;
	_ =	sdelay $0x1  }
0x9e: {  	[tilespmem:s17+$0x0] =	vst v1  }
0x9f: {  	v1 =	vld [tilespmem:s16+$0x10];
	_ =	sdelay $0x1  }
0xa0: {  	v2 =	vld [tilespmem:s17+$0x10];
	_ =	sdelay $0x2  }
0xa1: {  	v1 =	vmul.f32 v1, v0;
	_ =	sdelay $0x1  }
0xa2: {  	v1 =	vadd.f32 v1, v2;
	_ =	sdelay $0x1  }
0xa3: {  	[tilespmem:s17+$0x10] =	vst v1  }
0xa4: {  	v1 =	vld [tilespmem:s16+$0x20];
	_ =	sdelay $0x1  }
0xa5: {  	v2 =	vld [tilespmem:s17+$0x20];
	_ =	sdelay $0x2  }
0xa6: {  	v1 =	vmul.f32 v1, v0;
	_ =	sdelay $0x1  }
0xa7: {  	v1 =	vadd.f32 v1, v2;
	_ =	sdelay $0x1  }
0xa8: {  	[tilespmem:s17+$0x20] =	vst v1  }
0xa9: {  	v1 =	vld [tilespmem:s16+$0x30];
	_ =	sdelay $0x1  }
0xaa: {  	v2 =	vld [tilespmem:s17+$0x30];
	_ =	sdelay $0x2  }
0xab: {  	v1 =	vmul.f32 v1, v0;
	_ =	sdelay $0x1  }
0xac: {  	v1 =	vadd.f32 v1, v2;
	_ =	sdelay $0x1  }
0xad: {  	[tilespmem:s17+$0x30] =	vst v1  }
0xae: {  	v1 =	vld [tilespmem:s16+$0x40];
	_ =	sdelay $0x1  }
0xaf: {  	v2 =	vld [tilespmem:s17+$0x40];
	_ =	sdelay $0x2  }
0xb0: {  	v1 =	vmul.f32 v1, v0;
	_ =	sdelay $0x1  }
0xb1: {  	v1 =	vadd.f32 v1, v2;
	_ =	sdelay $0x1  }
0xb2: {  	[tilespmem:s17+$0x40] =	vst v1  }
0xb3: {  	v1 =	vld [tilespmem:s16+$0x50];
	_ =	sdelay $0x1  }
0xb4: {  	v2 =	vld [tilespmem:s17+$0x50];
	_ =	sdelay $0x2  }
0xb5: {  	v1 =	vmul.f32 v1, v0;
	_ =	sdelay $0x1  }
0xb6: {  	v1 =	vadd.f32 v1, v2;
	_ =	sdelay $0x1  }
0xb7: {  	[tilespmem:s17+$0x50] =	vst v1  }
0xb8: {  	v1 =	vld [tilespmem:s16+$0x60];
	_ =	sdelay $0x1  }
0xb9: {  	v2 =	vld [tilespmem:s17+$0x60];
	_ =	sdelay $0x2  }
0xba: {  	v1 =	vmul.f32 v1, v0;
	_ =	sdelay $0x1  }
0xbb: {  	v1 =	vadd.f32 v1, v2;
	_ =	sdelay $0x1  }
0xbc: {  	[tilespmem:s17+$0x60] =	vst v1  }
0xbd: {  	v1 =	vld [tilespmem:s16+$0x70];
	_ =	sdelay $0x1  }
0xbe: {  	v2 =	vld [tilespmem:s17+$0x70];
	_ =	sdelay $0x2  }
0xbf: {  	v1 =	vmul.f32 v1, v0;
	_ =	sdelay $0x1  }
0xc0: {  	v1 =	vadd.f32 v1, v2;
	_ =	sdelay $0x1  }
0xc1: {  	[tilespmem:s17+$0x70] =	vst v1  }
0xc2: {  	v1 =	vld [tilespmem:s16+$0x80];
	_ =	sdelay $0x1  }
0xc3: {  	v2 =	vld [tilespmem:s17+$0x80];
	_ =	sdelay $0x2  }
0xc4: {  	v1 =	vmul.f32 v1, v0;
	_ =	sdelay $0x1  }
0xc5: {  	v1 =	vadd.f32 v1, v2;
	_ =	sdelay $0x1  }
0xc6: {  	[tilespmem:s17+$0x80] =	vst v1  }
0xc7: {  	v1 =	vld [tilespmem:s16+$0x90];
	_ =	sdelay $0x1  }
0xc8: {  	v2 =	vld [tilespmem:s17+$0x90];
	_ =	sdelay $0x2  }
0xc9: {  	v1 =	vmul.f32 v1, v0;
	_ =	sdelay $0x1  }
0xca: {  	v1 =	vadd.f32 v1, v2;
	_ =	sdelay $0x1  }
0xcb: {  	[tilespmem:s17+$0x90] =	vst v1  }
0xcc: {  	v1 =	vld [tilespmem:s16+$0xA0];
	_ =	sdelay $0x1  }
0xcd: {  	v2 =	vld [tilespmem:s17+$0xA0];
	_ =	sdelay $0x2  }
0xce: {  	v1 =	vmul.f32 v1, v0;
	_ =	sdelay $0x1  }
0xcf: {  	v1 =	vadd.f32 v1, v2;
	_ =	sdelay $0x1  }
0xd0: {  	[tilespmem:s17+$0xA0] =	vst v1  }
0xd1: {  	v1 =	vld [tilespmem:s16+$0xB0];
	_ =	sdelay $0x1  }
0xd2: {  	v2 =	vld [tilespmem:s17+$0xB0];
	_ =	sdelay $0x2  }
0xd3: {  	v1 =	vmul.f32 v1, v0;
	_ =	sdelay $0x1  }
0xd4: {  	v1 =	vadd.f32 v1, v2;
	_ =	sdelay $0x1  }
0xd5: {  	[tilespmem:s17+$0xB0] =	vst v1  }
0xd6: {  	v1 =	vld [tilespmem:s16+$0xC0];
	_ =	sdelay $0x1  }
0xd7: {  	v2 =	vld [tilespmem:s17+$0xC0];
	_ =	sdelay $0x2  }
0xd8: {  	v1 =	vmul.f32 v1, v0;
	_ =	sdelay $0x1  }
0xd9: {  	v1 =	vadd.f32 v1, v2;
	_ =	sdelay $0x1  }
0xda: {  	[tilespmem:s17+$0xC0] =	vst v1  }
0xdb: {  	v1 =	vld [tilespmem:s16+$0xD0];
	_ =	sdelay $0x1  }
0xdc: {  	v2 =	vld [tilespmem:s17+$0xD0];
	_ =	sdelay $0x2  }
0xdd: {  	v1 =	vmul.f32 v1, v0;
	_ =	sdelay $0x1  }
0xde: {  	v1 =	vadd.f32 v1, v2;
	_ =	sdelay $0x1  }
0xdf: {  	[tilespmem:s17+$0xD0] =	vst v1  }
0xe0: {  	v1 =	vld [tilespmem:s16+$0xE0];
	_ =	sdelay $0x1  }
0xe1: {  	v2 =	vld [tilespmem:s17+$0xE0];
	_ =	sdelay $0x2  }
0xe2: {  	v1 =	vmul.f32 v1, v0;
	_ =	sdelay $0x1  }
0xe3: {  	v1 =	vadd.f32 v1, v2;
	_ =	sdelay $0x1  }
0xe4: {  	[tilespmem:s17+$0xE0] =	vst v1  }
0xe5: {  	v1 =	vld [tilespmem:s16+$0xF0];
	_ =	sdelay $0x1  }
0xe6: {  	v2 =	vld [tilespmem:s17+$0xF0];
	_ =	sdelay $0x2  }
0xe7: {  	v1 =	vmul.f32 v1, v0;
	_ =	sdelay $0x1  }
0xe8: {  	v1 =	vadd.f32 v1, v2;
	_ =	sdelay $0x1  }
0xe9: {  	[tilespmem:s17+$0xF0] =	vst v1  }
0xea: {  	v1 =	vld [tilespmem:s16+$0x100];
	_ =	sdelay $0x1  }
0xeb: {  	v2 =	vld [tilespmem:s17+$0x100];
	_ =	sdelay $0x2  }
0xec: {  	v1 =	vmul.f32 v1, v0;
	_ =	sdelay $0x1  }
0xed: {  	v1 =	vadd.f32 v1, v2;
	_ =	sdelay $0x1  }
0xee: {  	[tilespmem:s17+$0x100] =	vst v1  }
0xef: {  	v1 =	vld [tilespmem:s16+$0x110];
	_ =	sdelay $0x1  }
0xf0: {  	v2 =	vld [tilespmem:s17+$0x110];
	_ =	sdelay $0x2  }
0xf1: {  	v1 =	vmul.f32 v1, v0;
	_ =	sdelay $0x1  }
0xf2: {  	v1 =	vadd.f32 v1, v2;
	_ =	sdelay $0x1  }
0xf3: {  	[tilespmem:s17+$0x110] =	vst v1  }
0xf4: {  	v1 =	vld [tilespmem:s16+$0x120];
	_ =	sdelay $0x1  }
0xf5: {  	v2 =	vld [tilespmem:s17+$0x120];
	_ =	sdelay $0x2  }
0xf6: {  	v1 =	vmul.f32 v1, v0;
	_ =	sdelay $0x1  }
0xf7: {  	v1 =	vadd.f32 v1, v2;
	_ =	sdelay $0x1  }
0xf8: {  	[tilespmem:s17+$0x120] =	vst v1  }
0xf9: {  	v1 =	vld [tilespmem:s16+$0x130];
	_ =	sdelay $0x1  }
0xfa: {  	v2 =	vld [tilespmem:s17+$0x130];
	_ =	sdelay $0x2  }
0xfb: {  	v1 =	vmul.f32 v1, v0;
	_ =	sdelay $0x1  }
0xfc: {  	v1 =	vadd.f32 v1, v2;
	_ =	sdelay $0x1  }
0xfd: {  	[tilespmem:s17+$0x130] =	vst v1  }
0xfe: {  	v1 =	vld [tilespmem:s16+$0x140];
	_ =	sdelay $0x1  }
0xff: {  	v2 =	vld [tilespmem:s17+$0x140];
	_ =	sdelay $0x2  }
0x100: {  	v1 =	vmul.f32 v1, v0;
	_ =	sdelay $0x1  }
0x101: {  	v1 =	vadd.f32 v1, v2;
	_ =	sdelay $0x1  }
0x102: {  	[tilespmem:s17+$0x140] =	vst v1  }
0x103: {  	v1 =	vld [tilespmem:s16+$0x150];
	_ =	sdelay $0x1  }
0x104: {  	v2 =	vld [tilespmem:s17+$0x150];
	_ =	sdelay $0x2  }
0x105: {  	v1 =	vmul.f32 v1, v0;
	_ =	sdelay $0x1  }
0x106: {  	v1 =	vadd.f32 v1, v2;
	_ =	sdelay $0x1  }
0x107: {  	[tilespmem:s17+$0x150] =	vst v1  }
0x108: {  	v1 =	vld [tilespmem:s16+$0x160];
	_ =	sdelay $0x1  }
0x109: {  	v2 =	vld [tilespmem:s17+$0x160];
	_ =	sdelay $0x2  }
0x10a: {  	v1 =	vmul.f32 v1, v0;
	_ =	sdelay $0x1  }
0x10b: {  	v1 =	vadd.f32 v1, v2;
	_ =	sdelay $0x1  }
0x10c: {  	[tilespmem:s17+$0x160] =	vst v1  }
0x10d: {  	v3 =	vld [tilespmem:s16+$0x170];
	_ =	sdelay $0x1  }
0x10e: {  	v2 =	vld [tilespmem:s17+$0x170];
	_ =	sdelay $0x1  }
0x10f: {  	s31 =	simm.s32 $0x1  }
0x110: {  	s18 =	simm.s32 $0x2;
	v1 =	vmov s31;
	v0 =	vmul.f32 v3, v0  }
.LBB2_3:
0x111: {  	p0 =	sne.s32 s18, $0x3F  }
0x112: {  	v0 =	vadd.f32 v0, v2;
	_ =	sdelay $0x1  }
0x113: {  	[tilespmem:s17+$0x170] =	vst v0  }
0x114: {  	s16 =	sadd.s32 $0x300, s16;
	v0 =	vld.idx.msk [tilespmem:v1+s12+$0x0], $0xffff  }
0x115: {  	v1 =	vld [tilespmem:s16+$0xFFFFFE80]  }
0x116: {  	s17 =	sadd.s32 $0x300, s17  }
0x117: {  	v2 =	vld [tilespmem:s17+$0xFFFFFE80];
	_ =	sdelay $0x2  }
0x118: {  	v1 =	vmul.f32 v1, v0;
	_ =	sdelay $0x1  }
0x119: {  	v1 =	vadd.f32 v1, v2;
	_ =	sdelay $0x1  }
0x11a: {  	[tilespmem:s17+$0xFFFFFE80] =	vst v1  }
0x11b: {  	v1 =	vld [tilespmem:s16+$0xFFFFFE90];
	_ =	sdelay $0x1  }
0x11c: {  	v2 =	vld [tilespmem:s17+$0xFFFFFE90];
	_ =	sdelay $0x2  }
0x11d: {  	v1 =	vmul.f32 v1, v0;
	_ =	sdelay $0x1  }
0x11e: {  	v1 =	vadd.f32 v1, v2;
	_ =	sdelay $0x1  }
0x11f: {  	[tilespmem:s17+$0xFFFFFE90] =	vst v1  }
0x120: {  	v1 =	vld [tilespmem:s16+$0xFFFFFEA0];
	_ =	sdelay $0x1  }
0x121: {  	v2 =	vld [tilespmem:s17+$0xFFFFFEA0];
	_ =	sdelay $0x2  }
0x122: {  	v1 =	vmul.f32 v1, v0;
	_ =	sdelay $0x1  }
0x123: {  	v1 =	vadd.f32 v1, v2;
	_ =	sdelay $0x1  }
0x124: {  	[tilespmem:s17+$0xFFFFFEA0] =	vst v1  }
0x125: {  	v1 =	vld [tilespmem:s16+$0xFFFFFEB0];
	_ =	sdelay $0x1  }
0x126: {  	v2 =	vld [tilespmem:s17+$0xFFFFFEB0];
	_ =	sdelay $0x2  }
0x127: {  	v1 =	vmul.f32 v1, v0;
	_ =	sdelay $0x1  }
0x128: {  	v1 =	vadd.f32 v1, v2;
	_ =	sdelay $0x1  }
0x129: {  	[tilespmem:s17+$0xFFFFFEB0] =	vst v1  }
0x12a: {  	v1 =	vld [tilespmem:s16+$0xFFFFFEC0];
	_ =	sdelay $0x1  }
0x12b: {  	v2 =	vld [tilespmem:s17+$0xFFFFFEC0];
	_ =	sdelay $0x2  }
0x12c: {  	v1 =	vmul.f32 v1, v0;
	_ =	sdelay $0x1  }
0x12d: {  	v1 =	vadd.f32 v1, v2;
	_ =	sdelay $0x1  }
0x12e: {  	[tilespmem:s17+$0xFFFFFEC0] =	vst v1  }
0x12f: {  	v1 =	vld [tilespmem:s16+$0xFFFFFED0];
	_ =	sdelay $0x1  }
0x130: {  	v2 =	vld [tilespmem:s17+$0xFFFFFED0];
	_ =	sdelay $0x2  }
0x131: {  	v1 =	vmul.f32 v1, v0;
	_ =	sdelay $0x1  }
0x132: {  	v1 =	vadd.f32 v1, v2;
	_ =	sdelay $0x1  }
0x133: {  	[tilespmem:s17+$0xFFFFFED0] =	vst v1  }
0x134: {  	v1 =	vld [tilespmem:s16+$0xFFFFFEE0];
	_ =	sdelay $0x1  }
0x135: {  	v2 =	vld [tilespmem:s17+$0xFFFFFEE0];
	_ =	sdelay $0x2  }
0x136: {  	v1 =	vmul.f32 v1, v0;
	_ =	sdelay $0x1  }
0x137: {  	v1 =	vadd.f32 v1, v2;
	_ =	sdelay $0x1  }
0x138: {  	[tilespmem:s17+$0xFFFFFEE0] =	vst v1  }
0x139: {  	v1 =	vld [tilespmem:s16+$0xFFFFFEF0];
	_ =	sdelay $0x1  }
0x13a: {  	v2 =	vld [tilespmem:s17+$0xFFFFFEF0];
	_ =	sdelay $0x2  }
0x13b: {  	v1 =	vmul.f32 v1, v0;
	_ =	sdelay $0x1  }
0x13c: {  	v1 =	vadd.f32 v1, v2;
	_ =	sdelay $0x1  }
0x13d: {  	[tilespmem:s17+$0xFFFFFEF0] =	vst v1  }
0x13e: {  	v1 =	vld [tilespmem:s16+$0xFFFFFF00];
	_ =	sdelay $0x1  }
0x13f: {  	v2 =	vld [tilespmem:s17+$0xFFFFFF00];
	_ =	sdelay $0x2  }
0x140: {  	v1 =	vmul.f32 v1, v0;
	_ =	sdelay $0x1  }
0x141: {  	v1 =	vadd.f32 v1, v2;
	_ =	sdelay $0x1  }
0x142: {  	[tilespmem:s17+$0xFFFFFF00] =	vst v1  }
0x143: {  	v1 =	vld [tilespmem:s16+$0xFFFFFF10];
	_ =	sdelay $0x1  }
0x144: {  	v2 =	vld [tilespmem:s17+$0xFFFFFF10];
	_ =	sdelay $0x2  }
0x145: {  	v1 =	vmul.f32 v1, v0;
	_ =	sdelay $0x1  }
0x146: {  	v1 =	vadd.f32 v1, v2;
	_ =	sdelay $0x1  }
0x147: {  	[tilespmem:s17+$0xFFFFFF10] =	vst v1  }
0x148: {  	v1 =	vld [tilespmem:s16+$0xFFFFFF20];
	_ =	sdelay $0x1  }
0x149: {  	v2 =	vld [tilespmem:s17+$0xFFFFFF20];
	_ =	sdelay $0x2  }
0x14a: {  	v1 =	vmul.f32 v1, v0;
	_ =	sdelay $0x1  }
0x14b: {  	v1 =	vadd.f32 v1, v2;
	_ =	sdelay $0x1  }
0x14c: {  	[tilespmem:s17+$0xFFFFFF20] =	vst v1  }
0x14d: {  	v1 =	vld [tilespmem:s16+$0xFFFFFF30];
	_ =	sdelay $0x1  }
0x14e: {  	v2 =	vld [tilespmem:s17+$0xFFFFFF30];
	_ =	sdelay $0x2  }
0x14f: {  	v1 =	vmul.f32 v1, v0;
	_ =	sdelay $0x1  }
0x150: {  	v1 =	vadd.f32 v1, v2;
	_ =	sdelay $0x1  }
0x151: {  	[tilespmem:s17+$0xFFFFFF30] =	vst v1  }
0x152: {  	v1 =	vld [tilespmem:s16+$0xFFFFFF40];
	_ =	sdelay $0x1  }
0x153: {  	v2 =	vld [tilespmem:s17+$0xFFFFFF40];
	_ =	sdelay $0x2  }
0x154: {  	v1 =	vmul.f32 v1, v0;
	_ =	sdelay $0x1  }
0x155: {  	v1 =	vadd.f32 v1, v2;
	_ =	sdelay $0x1  }
0x156: {  	[tilespmem:s17+$0xFFFFFF40] =	vst v1  }
0x157: {  	v1 =	vld [tilespmem:s16+$0xFFFFFF50];
	_ =	sdelay $0x1  }
0x158: {  	v2 =	vld [tilespmem:s17+$0xFFFFFF50];
	_ =	sdelay $0x2  }
0x159: {  	v1 =	vmul.f32 v1, v0;
	_ =	sdelay $0x1  }
0x15a: {  	v1 =	vadd.f32 v1, v2;
	_ =	sdelay $0x1  }
0x15b: {  	[tilespmem:s17+$0xFFFFFF50] =	vst v1  }
0x15c: {  	v1 =	vld [tilespmem:s16+$0xFFFFFF60];
	_ =	sdelay $0x1  }
0x15d: {  	v2 =	vld [tilespmem:s17+$0xFFFFFF60];
	_ =	sdelay $0x2  }
0x15e: {  	v1 =	vmul.f32 v1, v0;
	_ =	sdelay $0x1  }
0x15f: {  	v1 =	vadd.f32 v1, v2;
	_ =	sdelay $0x1  }
0x160: {  	[tilespmem:s17+$0xFFFFFF60] =	vst v1  }
0x161: {  	v1 =	vld [tilespmem:s16+$0xFFFFFF70];
	_ =	sdelay $0x1  }
0x162: {  	v2 =	vld [tilespmem:s17+$0xFFFFFF70];
	_ =	sdelay $0x2  }
0x163: {  	v1 =	vmul.f32 v1, v0;
	_ =	sdelay $0x1  }
0x164: {  	v1 =	vadd.f32 v1, v2;
	_ =	sdelay $0x1  }
0x165: {  	[tilespmem:s17+$0xFFFFFF70] =	vst v1  }
0x166: {  	v1 =	vld [tilespmem:s16+$0xFFFFFF80];
	_ =	sdelay $0x1  }
0x167: {  	v2 =	vld [tilespmem:s17+$0xFFFFFF80];
	_ =	sdelay $0x2  }
0x168: {  	v1 =	vmul.f32 v1, v0;
	_ =	sdelay $0x1  }
0x169: {  	v1 =	vadd.f32 v1, v2;
	_ =	sdelay $0x1  }
0x16a: {  	[tilespmem:s17+$0xFFFFFF80] =	vst v1  }
0x16b: {  	v1 =	vld [tilespmem:s16+$0xFFFFFF90];
	_ =	sdelay $0x1  }
0x16c: {  	v2 =	vld [tilespmem:s17+$0xFFFFFF90];
	_ =	sdelay $0x2  }
0x16d: {  	v1 =	vmul.f32 v1, v0;
	_ =	sdelay $0x1  }
0x16e: {  	v1 =	vadd.f32 v1, v2;
	_ =	sdelay $0x1  }
0x16f: {  	[tilespmem:s17+$0xFFFFFF90] =	vst v1  }
0x170: {  	v1 =	vld [tilespmem:s16+$0xFFFFFFA0];
	_ =	sdelay $0x1  }
0x171: {  	v2 =	vld [tilespmem:s17+$0xFFFFFFA0];
	_ =	sdelay $0x2  }
0x172: {  	v1 =	vmul.f32 v1, v0;
	_ =	sdelay $0x1  }
0x173: {  	v1 =	vadd.f32 v1, v2;
	_ =	sdelay $0x1  }
0x174: {  	[tilespmem:s17+$0xFFFFFFA0] =	vst v1  }
0x175: {  	v1 =	vld [tilespmem:s16+$0xFFFFFFB0];
	_ =	sdelay $0x1  }
0x176: {  	v2 =	vld [tilespmem:s17+$0xFFFFFFB0];
	_ =	sdelay $0x2  }
0x177: {  	v1 =	vmul.f32 v1, v0;
	_ =	sdelay $0x1  }
0x178: {  	v1 =	vadd.f32 v1, v2;
	_ =	sdelay $0x1  }
0x179: {  	[tilespmem:s17+$0xFFFFFFB0] =	vst v1  }
0x17a: {  	v1 =	vld [tilespmem:s16+$0xFFFFFFC0];
	_ =	sdelay $0x1  }
0x17b: {  	v2 =	vld [tilespmem:s17+$0xFFFFFFC0];
	_ =	sdelay $0x2  }
0x17c: {  	v1 =	vmul.f32 v1, v0;
	_ =	sdelay $0x1  }
0x17d: {  	v1 =	vadd.f32 v1, v2;
	_ =	sdelay $0x1  }
0x17e: {  	[tilespmem:s17+$0xFFFFFFC0] =	vst v1  }
0x17f: {  	v1 =	vld [tilespmem:s16+$0xFFFFFFD0];
	_ =	sdelay $0x1  }
0x180: {  	v2 =	vld [tilespmem:s17+$0xFFFFFFD0];
	_ =	sdelay $0x2  }
0x181: {  	v1 =	vmul.f32 v1, v0;
	_ =	sdelay $0x1  }
0x182: {  	v1 =	vadd.f32 v1, v2;
	_ =	sdelay $0x1  }
0x183: {  	[tilespmem:s17+$0xFFFFFFD0] =	vst v1  }
0x184: {  	v1 =	vld [tilespmem:s16+$0xFFFFFFE0];
	_ =	sdelay $0x1  }
0x185: {  	v2 =	vld [tilespmem:s17+$0xFFFFFFE0];
	_ =	sdelay $0x2  }
0x186: {  	v1 =	vmul.f32 v1, v0;
	_ =	sdelay $0x1  }
0x187: {  	v1 =	vadd.f32 v1, v2;
	_ =	sdelay $0x1  }
0x188: {  	[tilespmem:s17+$0xFFFFFFE0] =	vst v1  }
0x189: {  	v1 =	vld [tilespmem:s16+$0xFFFFFFF0];
	_ =	sdelay $0x1  }
0x18a: {  	v2 =	vld [tilespmem:s17+$0xFFFFFFF0];
	_ =	sdelay $0x2  }
0x18b: {  	v1 =	vmul.f32 v1, v0;
	_ =	sdelay $0x1  }
0x18c: {  	v1 =	vadd.f32 v1, v2;
	_ =	sdelay $0x1  }
0x18d: {  	[tilespmem:s17+$0xFFFFFFF0] =	vst v1  }
0x18e: {  	v1 =	vld [tilespmem:s16+$0x0];
	_ =	sdelay $0x1  }
0x18f: {  	v2 =	vld [tilespmem:s17+$0x0];
	_ =	sdelay $0x2  }
0x190: {  	v1 =	vmul.f32 v1, v0;
	_ =	sdelay $0x1  }
0x191: {  	v1 =	vadd.f32 v1, v2;
	_ =	sdelay $0x1  }
0x192: {  	[tilespmem:s17+$0x0] =	vst v1  }
0x193: {  	v1 =	vld [tilespmem:s16+$0x10];
	_ =	sdelay $0x1  }
0x194: {  	v2 =	vld [tilespmem:s17+$0x10];
	_ =	sdelay $0x2  }
0x195: {  	v1 =	vmul.f32 v1, v0;
	_ =	sdelay $0x1  }
0x196: {  	v1 =	vadd.f32 v1, v2;
	_ =	sdelay $0x1  }
0x197: {  	[tilespmem:s17+$0x10] =	vst v1  }
0x198: {  	v1 =	vld [tilespmem:s16+$0x20];
	_ =	sdelay $0x1  }
0x199: {  	v2 =	vld [tilespmem:s17+$0x20];
	_ =	sdelay $0x2  }
0x19a: {  	v1 =	vmul.f32 v1, v0;
	_ =	sdelay $0x1  }
0x19b: {  	v1 =	vadd.f32 v1, v2;
	_ =	sdelay $0x1  }
0x19c: {  	[tilespmem:s17+$0x20] =	vst v1  }
0x19d: {  	v1 =	vld [tilespmem:s16+$0x30];
	_ =	sdelay $0x1  }
0x19e: {  	v2 =	vld [tilespmem:s17+$0x30];
	_ =	sdelay $0x2  }
0x19f: {  	v1 =	vmul.f32 v1, v0;
	_ =	sdelay $0x1  }
0x1a0: {  	v1 =	vadd.f32 v1, v2;
	_ =	sdelay $0x1  }
0x1a1: {  	[tilespmem:s17+$0x30] =	vst v1  }
0x1a2: {  	v1 =	vld [tilespmem:s16+$0x40];
	_ =	sdelay $0x1  }
0x1a3: {  	v2 =	vld [tilespmem:s17+$0x40];
	_ =	sdelay $0x2  }
0x1a4: {  	v1 =	vmul.f32 v1, v0;
	_ =	sdelay $0x1  }
0x1a5: {  	v1 =	vadd.f32 v1, v2;
	_ =	sdelay $0x1  }
0x1a6: {  	[tilespmem:s17+$0x40] =	vst v1  }
0x1a7: {  	v1 =	vld [tilespmem:s16+$0x50];
	_ =	sdelay $0x1  }
0x1a8: {  	v2 =	vld [tilespmem:s17+$0x50];
	_ =	sdelay $0x2  }
0x1a9: {  	v1 =	vmul.f32 v1, v0;
	_ =	sdelay $0x1  }
0x1aa: {  	v1 =	vadd.f32 v1, v2;
	_ =	sdelay $0x1  }
0x1ab: {  	[tilespmem:s17+$0x50] =	vst v1  }
0x1ac: {  	v1 =	vld [tilespmem:s16+$0x60];
	_ =	sdelay $0x1  }
0x1ad: {  	v2 =	vld [tilespmem:s17+$0x60];
	_ =	sdelay $0x2  }
0x1ae: {  	v1 =	vmul.f32 v1, v0;
	_ =	sdelay $0x1  }
0x1af: {  	v1 =	vadd.f32 v1, v2;
	_ =	sdelay $0x1  }
0x1b0: {  	[tilespmem:s17+$0x60] =	vst v1  }
0x1b1: {  	v1 =	vld [tilespmem:s16+$0x70];
	_ =	sdelay $0x1  }
0x1b2: {  	v2 =	vld [tilespmem:s17+$0x70];
	_ =	sdelay $0x2  }
0x1b3: {  	v1 =	vmul.f32 v1, v0;
	_ =	sdelay $0x1  }
0x1b4: {  	v1 =	vadd.f32 v1, v2;
	_ =	sdelay $0x1  }
0x1b5: {  	[tilespmem:s17+$0x70] =	vst v1  }
0x1b6: {  	v1 =	vld [tilespmem:s16+$0x80];
	_ =	sdelay $0x1  }
0x1b7: {  	v2 =	vld [tilespmem:s17+$0x80];
	_ =	sdelay $0x2  }
0x1b8: {  	v1 =	vmul.f32 v1, v0;
	_ =	sdelay $0x1  }
0x1b9: {  	v1 =	vadd.f32 v1, v2;
	_ =	sdelay $0x1  }
0x1ba: {  	[tilespmem:s17+$0x80] =	vst v1  }
0x1bb: {  	v1 =	vld [tilespmem:s16+$0x90];
	_ =	sdelay $0x1  }
0x1bc: {  	v2 =	vld [tilespmem:s17+$0x90];
	_ =	sdelay $0x2  }
0x1bd: {  	v1 =	vmul.f32 v1, v0;
	_ =	sdelay $0x1  }
0x1be: {  	v1 =	vadd.f32 v1, v2;
	_ =	sdelay $0x1  }
0x1bf: {  	[tilespmem:s17+$0x90] =	vst v1  }
0x1c0: {  	v1 =	vld [tilespmem:s16+$0xA0];
	_ =	sdelay $0x1  }
0x1c1: {  	v2 =	vld [tilespmem:s17+$0xA0];
	_ =	sdelay $0x2  }
0x1c2: {  	v1 =	vmul.f32 v1, v0;
	_ =	sdelay $0x1  }
0x1c3: {  	v1 =	vadd.f32 v1, v2;
	_ =	sdelay $0x1  }
0x1c4: {  	[tilespmem:s17+$0xA0] =	vst v1  }
0x1c5: {  	v1 =	vld [tilespmem:s16+$0xB0];
	_ =	sdelay $0x1  }
0x1c6: {  	v2 =	vld [tilespmem:s17+$0xB0];
	_ =	sdelay $0x2  }
0x1c7: {  	v1 =	vmul.f32 v1, v0;
	_ =	sdelay $0x1  }
0x1c8: {  	v1 =	vadd.f32 v1, v2;
	_ =	sdelay $0x1  }
0x1c9: {  	[tilespmem:s17+$0xB0] =	vst v1  }
0x1ca: {  	v1 =	vld [tilespmem:s16+$0xC0];
	_ =	sdelay $0x1  }
0x1cb: {  	v2 =	vld [tilespmem:s17+$0xC0];
	_ =	sdelay $0x2  }
0x1cc: {  	v1 =	vmul.f32 v1, v0;
	_ =	sdelay $0x1  }
0x1cd: {  	v1 =	vadd.f32 v1, v2;
	_ =	sdelay $0x1  }
0x1ce: {  	[tilespmem:s17+$0xC0] =	vst v1  }
0x1cf: {  	v1 =	vld [tilespmem:s16+$0xD0];
	_ =	sdelay $0x1  }
0x1d0: {  	v2 =	vld [tilespmem:s17+$0xD0];
	_ =	sdelay $0x2  }
0x1d1: {  	v1 =	vmul.f32 v1, v0;
	_ =	sdelay $0x1  }
0x1d2: {  	v1 =	vadd.f32 v1, v2;
	_ =	sdelay $0x1  }
0x1d3: {  	[tilespmem:s17+$0xD0] =	vst v1  }
0x1d4: {  	v1 =	vld [tilespmem:s16+$0xE0];
	_ =	sdelay $0x1  }
0x1d5: {  	v2 =	vld [tilespmem:s17+$0xE0];
	_ =	sdelay $0x2  }
0x1d6: {  	v1 =	vmul.f32 v1, v0;
	_ =	sdelay $0x1  }
0x1d7: {  	v1 =	vadd.f32 v1, v2;
	_ =	sdelay $0x1  }
0x1d8: {  	[tilespmem:s17+$0xE0] =	vst v1  }
0x1d9: {  	v1 =	vld [tilespmem:s16+$0xF0];
	_ =	sdelay $0x1  }
0x1da: {  	v2 =	vld [tilespmem:s17+$0xF0];
	_ =	sdelay $0x2  }
0x1db: {  	v1 =	vmul.f32 v1, v0;
	_ =	sdelay $0x1  }
0x1dc: {  	v1 =	vadd.f32 v1, v2;
	_ =	sdelay $0x1  }
0x1dd: {  	[tilespmem:s17+$0xF0] =	vst v1  }
0x1de: {  	v1 =	vld [tilespmem:s16+$0x100];
	_ =	sdelay $0x1  }
0x1df: {  	v2 =	vld [tilespmem:s17+$0x100];
	_ =	sdelay $0x2  }
0x1e0: {  	v1 =	vmul.f32 v1, v0;
	_ =	sdelay $0x1  }
0x1e1: {  	v1 =	vadd.f32 v1, v2;
	_ =	sdelay $0x1  }
0x1e2: {  	[tilespmem:s17+$0x100] =	vst v1  }
0x1e3: {  	v1 =	vld [tilespmem:s16+$0x110];
	_ =	sdelay $0x1  }
0x1e4: {  	v2 =	vld [tilespmem:s17+$0x110];
	_ =	sdelay $0x2  }
0x1e5: {  	v1 =	vmul.f32 v1, v0;
	_ =	sdelay $0x1  }
0x1e6: {  	v1 =	vadd.f32 v1, v2;
	_ =	sdelay $0x1  }
0x1e7: {  	[tilespmem:s17+$0x110] =	vst v1  }
0x1e8: {  	v1 =	vld [tilespmem:s16+$0x120];
	_ =	sdelay $0x1  }
0x1e9: {  	v2 =	vld [tilespmem:s17+$0x120];
	_ =	sdelay $0x2  }
0x1ea: {  	v1 =	vmul.f32 v1, v0;
	_ =	sdelay $0x1  }
0x1eb: {  	v1 =	vadd.f32 v1, v2;
	_ =	sdelay $0x1  }
0x1ec: {  	[tilespmem:s17+$0x120] =	vst v1  }
0x1ed: {  	v1 =	vld [tilespmem:s16+$0x130];
	_ =	sdelay $0x1  }
0x1ee: {  	v2 =	vld [tilespmem:s17+$0x130];
	_ =	sdelay $0x2  }
0x1ef: {  	v1 =	vmul.f32 v1, v0;
	_ =	sdelay $0x1  }
0x1f0: {  	v1 =	vadd.f32 v1, v2;
	_ =	sdelay $0x1  }
0x1f1: {  	[tilespmem:s17+$0x130] =	vst v1  }
0x1f2: {  	v1 =	vld [tilespmem:s16+$0x140];
	_ =	sdelay $0x1  }
0x1f3: {  	v2 =	vld [tilespmem:s17+$0x140];
	_ =	sdelay $0x2  }
0x1f4: {  	v1 =	vmul.f32 v1, v0;
	_ =	sdelay $0x1  }
0x1f5: {  	v1 =	vadd.f32 v1, v2;
	_ =	sdelay $0x1  }
0x1f6: {  	[tilespmem:s17+$0x140] =	vst v1  }
0x1f7: {  	v1 =	vld [tilespmem:s16+$0x150];
	_ =	sdelay $0x1  }
0x1f8: {  	v2 =	vld [tilespmem:s17+$0x150];
	_ =	sdelay $0x2  }
0x1f9: {  	v1 =	vmul.f32 v1, v0;
	_ =	sdelay $0x1  }
0x1fa: {  	v1 =	vadd.f32 v1, v2;
	_ =	sdelay $0x1  }
0x1fb: {  	[tilespmem:s17+$0x150] =	vst v1  }
0x1fc: {  	v1 =	vld [tilespmem:s16+$0x160];
	_ =	sdelay $0x1  }
0x1fd: {  	v2 =	vld [tilespmem:s17+$0x160];
	_ =	sdelay $0x2  }
0x1fe: {  	v1 =	vmul.f32 v1, v0;
	_ =	sdelay $0x1  }
0x1ff: {  	v1 =	vadd.f32 v1, v2;
	_ =	sdelay $0x1  }
0x200: {  	[tilespmem:s17+$0x160] =	vst v1  }
0x201: {  	v3 =	vld [tilespmem:s16+$0x170]  }
.Ltmp0:
0x202: {  	(pc) =	sbr.rel @p0 .LBB2_3-.Ltmp0, $2  }
0x203: {  	v2 =	vld [tilespmem:s17+$0x170];
	_ =	sdelay $0x2  }
0x204: {  	v1 =	vmov s18;
	s18 =	sadd.s32 $0x1, s18;
	v0 =	vmul.f32 v3, v0  }
0x205: {  	_ = 	snop  }
0x206: {  	v0 =	vadd.f32 v0, v2;
	_ =	sdelay $0x1  }
0x207: {  	[tilespmem:s17+$0x170] =	vst v0  }
0x208: {  	s18 =	sadd.s32 $0x300, s16;
	v0 =	vld.idx.msk [tilespmem:v1+s12+$0x0], $0xffff  }
0x209: {  	v15 =	vld [tilespmem:s18+$0xFFFFFE80]  }
0x20a: {  	s31 =	sadd.s32 $0x300, s17  }
0x20b: {  	v16 =	vld [tilespmem:s31+$0xFFFFFE80];
	_ =	sdelay $0x2  }
0x20c: {  	v1 =	vmul.f32 v15, v0;
	_ =	sdelay $0x1  }
0x20d: {  	v1 =	vadd.f32 v1, v16;
	_ =	sdelay $0x1  }
0x20e: {  	[tilespmem:s31+$0xFFFFFE80] =	vst v1  }
0x20f: {  	v1 =	vld [tilespmem:s18+$0xFFFFFE90];
	_ =	sdelay $0x1  }
0x210: {  	v17 =	vld [tilespmem:s31+$0xFFFFFE90];
	_ =	sdelay $0x2  }
0x211: {  	v1 =	vmul.f32 v1, v0;
	_ =	sdelay $0x1  }
0x212: {  	v1 =	vadd.f32 v1, v17;
	_ =	sdelay $0x1  }
0x213: {  	[tilespmem:s31+$0xFFFFFE90] =	vst v1  }
0x214: {  	v1 =	vld [tilespmem:s18+$0xFFFFFEA0];
	_ =	sdelay $0x1  }
0x215: {  	v18 =	vld [tilespmem:s31+$0xFFFFFEA0];
	_ =	sdelay $0x2  }
0x216: {  	v1 =	vmul.f32 v1, v0;
	_ =	sdelay $0x1  }
0x217: {  	v1 =	vadd.f32 v1, v18;
	_ =	sdelay $0x1  }
0x218: {  	[tilespmem:s31+$0xFFFFFEA0] =	vst v1  }
0x219: {  	v1 =	vld [tilespmem:s18+$0xFFFFFEB0];
	_ =	sdelay $0x1  }
0x21a: {  	v19 =	vld [tilespmem:s31+$0xFFFFFEB0];
	_ =	sdelay $0x2  }
0x21b: {  	v1 =	vmul.f32 v1, v0;
	_ =	sdelay $0x1  }
0x21c: {  	v1 =	vadd.f32 v1, v19;
	_ =	sdelay $0x1  }
0x21d: {  	[tilespmem:s31+$0xFFFFFEB0] =	vst v1  }
0x21e: {  	v1 =	vld [tilespmem:s18+$0xFFFFFEC0];
	_ =	sdelay $0x1  }
0x21f: {  	v20 =	vld [tilespmem:s31+$0xFFFFFEC0];
	_ =	sdelay $0x2  }
0x220: {  	v1 =	vmul.f32 v1, v0;
	_ =	sdelay $0x1  }
0x221: {  	v1 =	vadd.f32 v1, v20;
	_ =	sdelay $0x1  }
0x222: {  	[tilespmem:s31+$0xFFFFFEC0] =	vst v1  }
0x223: {  	v1 =	vld [tilespmem:s18+$0xFFFFFED0];
	_ =	sdelay $0x1  }
0x224: {  	v21 =	vld [tilespmem:s31+$0xFFFFFED0];
	_ =	sdelay $0x2  }
0x225: {  	v1 =	vmul.f32 v1, v0;
	_ =	sdelay $0x1  }
0x226: {  	v1 =	vadd.f32 v1, v21;
	_ =	sdelay $0x1  }
0x227: {  	[tilespmem:s31+$0xFFFFFED0] =	vst v1  }
0x228: {  	v1 =	vld [tilespmem:s18+$0xFFFFFEE0];
	_ =	sdelay $0x1  }
0x229: {  	v22 =	vld [tilespmem:s31+$0xFFFFFEE0];
	_ =	sdelay $0x2  }
0x22a: {  	v1 =	vmul.f32 v1, v0;
	_ =	sdelay $0x1  }
0x22b: {  	v1 =	vadd.f32 v1, v22;
	_ =	sdelay $0x1  }
0x22c: {  	[tilespmem:s31+$0xFFFFFEE0] =	vst v1  }
0x22d: {  	v1 =	vld [tilespmem:s18+$0xFFFFFEF0];
	_ =	sdelay $0x1  }
0x22e: {  	v23 =	vld [tilespmem:s31+$0xFFFFFEF0];
	_ =	sdelay $0x2  }
0x22f: {  	v1 =	vmul.f32 v1, v0;
	_ =	sdelay $0x1  }
0x230: {  	v1 =	vadd.f32 v1, v23;
	_ =	sdelay $0x1  }
0x231: {  	[tilespmem:s31+$0xFFFFFEF0] =	vst v1  }
0x232: {  	v1 =	vld [tilespmem:s18+$0xFFFFFF00];
	_ =	sdelay $0x1  }
0x233: {  	v24 =	vld [tilespmem:s31+$0xFFFFFF00];
	_ =	sdelay $0x2  }
0x234: {  	v1 =	vmul.f32 v1, v0;
	_ =	sdelay $0x1  }
0x235: {  	v1 =	vadd.f32 v1, v24;
	_ =	sdelay $0x1  }
0x236: {  	[tilespmem:s31+$0xFFFFFF00] =	vst v1  }
0x237: {  	v1 =	vld [tilespmem:s18+$0xFFFFFF10];
	_ =	sdelay $0x1  }
0x238: {  	v25 =	vld [tilespmem:s31+$0xFFFFFF10];
	_ =	sdelay $0x2  }
0x239: {  	v1 =	vmul.f32 v1, v0;
	_ =	sdelay $0x1  }
0x23a: {  	v1 =	vadd.f32 v1, v25;
	_ =	sdelay $0x1  }
0x23b: {  	[tilespmem:s31+$0xFFFFFF10] =	vst v1  }
0x23c: {  	v1 =	vld [tilespmem:s18+$0xFFFFFF20];
	_ =	sdelay $0x1  }
0x23d: {  	v26 =	vld [tilespmem:s31+$0xFFFFFF20];
	_ =	sdelay $0x2  }
0x23e: {  	v1 =	vmul.f32 v1, v0;
	_ =	sdelay $0x1  }
0x23f: {  	v1 =	vadd.f32 v1, v26;
	_ =	sdelay $0x1  }
0x240: {  	[tilespmem:s31+$0xFFFFFF20] =	vst v1  }
0x241: {  	v1 =	vld [tilespmem:s18+$0xFFFFFF30];
	_ =	sdelay $0x1  }
0x242: {  	v27 =	vld [tilespmem:s31+$0xFFFFFF30];
	_ =	sdelay $0x2  }
0x243: {  	v1 =	vmul.f32 v1, v0;
	_ =	sdelay $0x1  }
0x244: {  	v1 =	vadd.f32 v1, v27;
	_ =	sdelay $0x1  }
0x245: {  	[tilespmem:s31+$0xFFFFFF30] =	vst v1  }
0x246: {  	v1 =	vld [tilespmem:s18+$0xFFFFFF40];
	_ =	sdelay $0x1  }
0x247: {  	v28 =	vld [tilespmem:s31+$0xFFFFFF40];
	_ =	sdelay $0x2  }
0x248: {  	v1 =	vmul.f32 v1, v0;
	_ =	sdelay $0x1  }
0x249: {  	v1 =	vadd.f32 v1, v28;
	_ =	sdelay $0x1  }
0x24a: {  	[tilespmem:s31+$0xFFFFFF40] =	vst v1  }
0x24b: {  	v1 =	vld [tilespmem:s18+$0xFFFFFF50];
	_ =	sdelay $0x1  }
0x24c: {  	v29 =	vld [tilespmem:s31+$0xFFFFFF50];
	_ =	sdelay $0x2  }
0x24d: {  	v1 =	vmul.f32 v1, v0;
	_ =	sdelay $0x1  }
0x24e: {  	v1 =	vadd.f32 v1, v29;
	_ =	sdelay $0x1  }
0x24f: {  	[tilespmem:s31+$0xFFFFFF50] =	vst v1  }
0x250: {  	v1 =	vld [tilespmem:s18+$0xFFFFFF60];
	_ =	sdelay $0x1  }
0x251: {  	v30 =	vld [tilespmem:s31+$0xFFFFFF60];
	_ =	sdelay $0x2  }
0x252: {  	v1 =	vmul.f32 v1, v0;
	_ =	sdelay $0x1  }
0x253: {  	v1 =	vadd.f32 v1, v30;
	_ =	sdelay $0x1  }
0x254: {  	[tilespmem:s31+$0xFFFFFF60] =	vst v1  }
0x255: {  	v1 =	vld [tilespmem:s18+$0xFFFFFF70];
	_ =	sdelay $0x1  }
0x256: {  	v31 =	vld [tilespmem:s31+$0xFFFFFF70];
	_ =	sdelay $0x2  }
0x257: {  	v1 =	vmul.f32 v1, v0;
	_ =	sdelay $0x1  }
0x258: {  	v1 =	vadd.f32 v1, v31;
	_ =	sdelay $0x1  }
0x259: {  	[tilespmem:s31+$0xFFFFFF70] =	vst v1  }
0x25a: {  	v1 =	vld [tilespmem:s18+$0xFFFFFF80];
	_ =	sdelay $0x1  }
0x25b: {  	v32 =	vld [tilespmem:s31+$0xFFFFFF80];
	_ =	sdelay $0x2  }
0x25c: {  	v1 =	vmul.f32 v1, v0;
	_ =	sdelay $0x1  }
0x25d: {  	v1 =	vadd.f32 v1, v32;
	_ =	sdelay $0x1  }
0x25e: {  	[tilespmem:s31+$0xFFFFFF80] =	vst v1  }
0x25f: {  	v1 =	vld [tilespmem:s18+$0xFFFFFF90];
	_ =	sdelay $0x1  }
0x260: {  	v33 =	vld [tilespmem:s31+$0xFFFFFF90];
	_ =	sdelay $0x2  }
0x261: {  	v1 =	vmul.f32 v1, v0;
	_ =	sdelay $0x1  }
0x262: {  	v1 =	vadd.f32 v1, v33;
	_ =	sdelay $0x1  }
0x263: {  	[tilespmem:s31+$0xFFFFFF90] =	vst v1  }
0x264: {  	v1 =	vld [tilespmem:s18+$0xFFFFFFA0];
	_ =	sdelay $0x1  }
0x265: {  	v34 =	vld [tilespmem:s31+$0xFFFFFFA0];
	_ =	sdelay $0x2  }
0x266: {  	v1 =	vmul.f32 v1, v0;
	_ =	sdelay $0x1  }
0x267: {  	v1 =	vadd.f32 v1, v34;
	_ =	sdelay $0x1  }
0x268: {  	[tilespmem:s31+$0xFFFFFFA0] =	vst v1  }
0x269: {  	v1 =	vld [tilespmem:s18+$0xFFFFFFB0];
	_ =	sdelay $0x1  }
0x26a: {  	v35 =	vld [tilespmem:s31+$0xFFFFFFB0];
	_ =	sdelay $0x2  }
0x26b: {  	v1 =	vmul.f32 v1, v0;
	_ =	sdelay $0x1  }
0x26c: {  	v1 =	vadd.f32 v1, v35;
	_ =	sdelay $0x1  }
0x26d: {  	[tilespmem:s31+$0xFFFFFFB0] =	vst v1  }
0x26e: {  	v1 =	vld [tilespmem:s18+$0xFFFFFFC0];
	_ =	sdelay $0x1  }
0x26f: {  	v36 =	vld [tilespmem:s31+$0xFFFFFFC0];
	_ =	sdelay $0x2  }
0x270: {  	v1 =	vmul.f32 v1, v0;
	_ =	sdelay $0x1  }
0x271: {  	v1 =	vadd.f32 v1, v36;
	_ =	sdelay $0x1  }
0x272: {  	[tilespmem:s31+$0xFFFFFFC0] =	vst v1  }
0x273: {  	v1 =	vld [tilespmem:s18+$0xFFFFFFD0];
	_ =	sdelay $0x1  }
0x274: {  	v37 =	vld [tilespmem:s31+$0xFFFFFFD0];
	_ =	sdelay $0x2  }
0x275: {  	v1 =	vmul.f32 v1, v0;
	_ =	sdelay $0x1  }
0x276: {  	v1 =	vadd.f32 v1, v37;
	_ =	sdelay $0x1  }
0x277: {  	[tilespmem:s31+$0xFFFFFFD0] =	vst v1  }
0x278: {  	v1 =	vld [tilespmem:s18+$0xFFFFFFE0];
	_ =	sdelay $0x1  }
0x279: {  	v38 =	vld [tilespmem:s31+$0xFFFFFFE0];
	_ =	sdelay $0x2  }
0x27a: {  	v1 =	vmul.f32 v1, v0;
	_ =	sdelay $0x1  }
0x27b: {  	v1 =	vadd.f32 v1, v38;
	_ =	sdelay $0x1  }
0x27c: {  	[tilespmem:s31+$0xFFFFFFE0] =	vst v1  }
0x27d: {  	v1 =	vld [tilespmem:s18+$0xFFFFFFF0];
	_ =	sdelay $0x1  }
0x27e: {  	v39 =	vld [tilespmem:s31+$0xFFFFFFF0];
	_ =	sdelay $0x2  }
0x27f: {  	v1 =	vmul.f32 v1, v0;
	_ =	sdelay $0x1  }
0x280: {  	v1 =	vadd.f32 v1, v39;
	_ =	sdelay $0x1  }
0x281: {  	[tilespmem:s31+$0xFFFFFFF0] =	vst v1  }
0x282: {  	v1 =	vld [tilespmem:s18+$0x0];
	_ =	sdelay $0x1  }
0x283: {  	v40 =	vld [tilespmem:s31+$0x0];
	_ =	sdelay $0x2  }
0x284: {  	v1 =	vmul.f32 v1, v0;
	_ =	sdelay $0x1  }
0x285: {  	v1 =	vadd.f32 v1, v40;
	_ =	sdelay $0x1  }
0x286: {  	[tilespmem:s31+$0x0] =	vst v1  }
0x287: {  	v1 =	vld [tilespmem:s18+$0x10];
	_ =	sdelay $0x1  }
0x288: {  	v41 =	vld [tilespmem:s31+$0x10];
	_ =	sdelay $0x2  }
0x289: {  	v1 =	vmul.f32 v1, v0;
	_ =	sdelay $0x1  }
0x28a: {  	v1 =	vadd.f32 v1, v41;
	_ =	sdelay $0x1  }
0x28b: {  	[tilespmem:s31+$0x10] =	vst v1  }
0x28c: {  	v1 =	vld [tilespmem:s18+$0x20];
	_ =	sdelay $0x1  }
0x28d: {  	v42 =	vld [tilespmem:s31+$0x20];
	_ =	sdelay $0x2  }
0x28e: {  	v1 =	vmul.f32 v1, v0;
	_ =	sdelay $0x1  }
0x28f: {  	v1 =	vadd.f32 v1, v42;
	_ =	sdelay $0x1  }
0x290: {  	[tilespmem:s31+$0x20] =	vst v1  }
0x291: {  	v1 =	vld [tilespmem:s18+$0x30];
	_ =	sdelay $0x1  }
0x292: {  	v43 =	vld [tilespmem:s31+$0x30];
	_ =	sdelay $0x2  }
0x293: {  	v1 =	vmul.f32 v1, v0;
	_ =	sdelay $0x1  }
0x294: {  	v1 =	vadd.f32 v1, v43;
	_ =	sdelay $0x1  }
0x295: {  	[tilespmem:s31+$0x30] =	vst v1  }
0x296: {  	v1 =	vld [tilespmem:s18+$0x40];
	_ =	sdelay $0x1  }
0x297: {  	v44 =	vld [tilespmem:s31+$0x40];
	_ =	sdelay $0x2  }
0x298: {  	v1 =	vmul.f32 v1, v0;
	_ =	sdelay $0x1  }
0x299: {  	v1 =	vadd.f32 v1, v44;
	_ =	sdelay $0x1  }
0x29a: {  	[tilespmem:s31+$0x40] =	vst v1  }
0x29b: {  	v1 =	vld [tilespmem:s18+$0x50];
	_ =	sdelay $0x1  }
0x29c: {  	v45 =	vld [tilespmem:s31+$0x50];
	_ =	sdelay $0x2  }
0x29d: {  	v1 =	vmul.f32 v1, v0;
	_ =	sdelay $0x1  }
0x29e: {  	v1 =	vadd.f32 v1, v45;
	_ =	sdelay $0x1  }
0x29f: {  	[tilespmem:s31+$0x50] =	vst v1  }
0x2a0: {  	v1 =	vld [tilespmem:s18+$0x60];
	_ =	sdelay $0x1  }
0x2a1: {  	v46 =	vld [tilespmem:s31+$0x60];
	_ =	sdelay $0x2  }
0x2a2: {  	v1 =	vmul.f32 v1, v0;
	_ =	sdelay $0x1  }
0x2a3: {  	v1 =	vadd.f32 v1, v46;
	_ =	sdelay $0x1  }
0x2a4: {  	[tilespmem:s31+$0x60] =	vst v1  }
0x2a5: {  	v1 =	vld [tilespmem:s18+$0x70];
	_ =	sdelay $0x1  }
0x2a6: {  	v47 =	vld [tilespmem:s31+$0x70];
	_ =	sdelay $0x2  }
0x2a7: {  	v1 =	vmul.f32 v1, v0;
	_ =	sdelay $0x1  }
0x2a8: {  	v1 =	vadd.f32 v1, v47;
	_ =	sdelay $0x1  }
0x2a9: {  	[tilespmem:s31+$0x70] =	vst v1  }
0x2aa: {  	v1 =	vld [tilespmem:s18+$0x80];
	_ =	sdelay $0x1  }
0x2ab: {  	v48 =	vld [tilespmem:s31+$0x80];
	_ =	sdelay $0x2  }
0x2ac: {  	v1 =	vmul.f32 v1, v0;
	_ =	sdelay $0x1  }
0x2ad: {  	v1 =	vadd.f32 v1, v48;
	_ =	sdelay $0x1  }
0x2ae: {  	[tilespmem:s31+$0x80] =	vst v1  }
0x2af: {  	v1 =	vld [tilespmem:s18+$0x90];
	_ =	sdelay $0x1  }
0x2b0: {  	v49 =	vld [tilespmem:s31+$0x90];
	_ =	sdelay $0x2  }
0x2b1: {  	v1 =	vmul.f32 v1, v0;
	_ =	sdelay $0x1  }
0x2b2: {  	v1 =	vadd.f32 v1, v49;
	_ =	sdelay $0x1  }
0x2b3: {  	[tilespmem:s31+$0x90] =	vst v1  }
0x2b4: {  	v1 =	vld [tilespmem:s18+$0xA0];
	_ =	sdelay $0x1  }
0x2b5: {  	v50 =	vld [tilespmem:s31+$0xA0];
	_ =	sdelay $0x2  }
0x2b6: {  	v1 =	vmul.f32 v1, v0;
	_ =	sdelay $0x1  }
0x2b7: {  	v1 =	vadd.f32 v1, v50;
	_ =	sdelay $0x1  }
0x2b8: {  	[tilespmem:s31+$0xA0] =	vst v1  }
0x2b9: {  	v1 =	vld [tilespmem:s18+$0xB0];
	_ =	sdelay $0x1  }
0x2ba: {  	v51 =	vld [tilespmem:s31+$0xB0];
	_ =	sdelay $0x2  }
0x2bb: {  	v1 =	vmul.f32 v1, v0;
	_ =	sdelay $0x1  }
0x2bc: {  	v1 =	vadd.f32 v1, v51;
	_ =	sdelay $0x1  }
0x2bd: {  	[tilespmem:s31+$0xB0] =	vst v1  }
0x2be: {  	v1 =	vld [tilespmem:s18+$0xC0];
	_ =	sdelay $0x1  }
0x2bf: {  	v52 =	vld [tilespmem:s31+$0xC0];
	_ =	sdelay $0x2  }
0x2c0: {  	v1 =	vmul.f32 v1, v0;
	_ =	sdelay $0x1  }
0x2c1: {  	v1 =	vadd.f32 v1, v52;
	_ =	sdelay $0x1  }
0x2c2: {  	[tilespmem:s31+$0xC0] =	vst v1  }
0x2c3: {  	v1 =	vld [tilespmem:s18+$0xD0];
	_ =	sdelay $0x1  }
0x2c4: {  	v53 =	vld [tilespmem:s31+$0xD0];
	_ =	sdelay $0x2  }
0x2c5: {  	v1 =	vmul.f32 v1, v0;
	_ =	sdelay $0x1  }
0x2c6: {  	v1 =	vadd.f32 v1, v53;
	_ =	sdelay $0x1  }
0x2c7: {  	[tilespmem:s31+$0xD0] =	vst v1  }
0x2c8: {  	v1 =	vld [tilespmem:s18+$0xE0];
	_ =	sdelay $0x1  }
0x2c9: {  	v54 =	vld [tilespmem:s31+$0xE0];
	_ =	sdelay $0x2  }
0x2ca: {  	v1 =	vmul.f32 v1, v0;
	_ =	sdelay $0x1  }
0x2cb: {  	v1 =	vadd.f32 v1, v54;
	_ =	sdelay $0x1  }
0x2cc: {  	[tilespmem:s31+$0xE0] =	vst v1  }
0x2cd: {  	v1 =	vld [tilespmem:s18+$0xF0];
	_ =	sdelay $0x1  }
0x2ce: {  	v55 =	vld [tilespmem:s31+$0xF0];
	_ =	sdelay $0x2  }
0x2cf: {  	v1 =	vmul.f32 v1, v0;
	_ =	sdelay $0x1  }
0x2d0: {  	v1 =	vadd.f32 v1, v55;
	_ =	sdelay $0x1  }
0x2d1: {  	[tilespmem:s31+$0xF0] =	vst v1  }
0x2d2: {  	v1 =	vld [tilespmem:s18+$0x100];
	_ =	sdelay $0x1  }
0x2d3: {  	v56 =	vld [tilespmem:s31+$0x100];
	_ =	sdelay $0x2  }
0x2d4: {  	v1 =	vmul.f32 v1, v0;
	_ =	sdelay $0x1  }
0x2d5: {  	v1 =	vadd.f32 v1, v56;
	_ =	sdelay $0x1  }
0x2d6: {  	[tilespmem:s31+$0x100] =	vst v1  }
0x2d7: {  	v1 =	vld [tilespmem:s18+$0x110];
	_ =	sdelay $0x1  }
0x2d8: {  	v57 =	vld [tilespmem:s31+$0x110];
	_ =	sdelay $0x2  }
0x2d9: {  	v1 =	vmul.f32 v1, v0;
	_ =	sdelay $0x1  }
0x2da: {  	v1 =	vadd.f32 v1, v57;
	_ =	sdelay $0x1  }
0x2db: {  	[tilespmem:s31+$0x110] =	vst v1  }
0x2dc: {  	v1 =	vld [tilespmem:s18+$0x120];
	_ =	sdelay $0x1  }
0x2dd: {  	v58 =	vld [tilespmem:s31+$0x120];
	_ =	sdelay $0x2  }
0x2de: {  	v1 =	vmul.f32 v1, v0;
	_ =	sdelay $0x1  }
0x2df: {  	v1 =	vadd.f32 v1, v58;
	_ =	sdelay $0x1  }
0x2e0: {  	[tilespmem:s31+$0x120] =	vst v1  }
0x2e1: {  	v1 =	vld [tilespmem:s18+$0x130];
	_ =	sdelay $0x1  }
0x2e2: {  	v59 =	vld [tilespmem:s31+$0x130];
	_ =	sdelay $0x2  }
0x2e3: {  	v1 =	vmul.f32 v1, v0;
	_ =	sdelay $0x1  }
0x2e4: {  	v1 =	vadd.f32 v1, v59;
	_ =	sdelay $0x1  }
0x2e5: {  	[tilespmem:s31+$0x130] =	vst v1  }
0x2e6: {  	v1 =	vld [tilespmem:s18+$0x140];
	_ =	sdelay $0x1  }
0x2e7: {  	v60 =	vld [tilespmem:s31+$0x140];
	_ =	sdelay $0x2  }
0x2e8: {  	v1 =	vmul.f32 v1, v0;
	_ =	sdelay $0x1  }
0x2e9: {  	v1 =	vadd.f32 v1, v60;
	_ =	sdelay $0x1  }
0x2ea: {  	[tilespmem:s31+$0x140] =	vst v1  }
0x2eb: {  	v1 =	vld [tilespmem:s18+$0x150];
	_ =	sdelay $0x1  }
0x2ec: {  	v61 =	vld [tilespmem:s31+$0x150];
	_ =	sdelay $0x2  }
0x2ed: {  	v1 =	vmul.f32 v1, v0;
	_ =	sdelay $0x1  }
0x2ee: {  	v1 =	vadd.f32 v1, v61;
	_ =	sdelay $0x1  }
0x2ef: {  	[tilespmem:s31+$0x150] =	vst v1  }
0x2f0: {  	v1 =	vld [tilespmem:s18+$0x160];
	_ =	sdelay $0x1  }
0x2f1: {  	v62 =	vld [tilespmem:s31+$0x160];
	_ =	sdelay $0x2  }
0x2f2: {  	v1 =	vmul.f32 v1, v0;
	_ =	sdelay $0x1  }
0x2f3: {  	v1 =	vadd.f32 v1, v62;
	_ =	sdelay $0x1  }
0x2f4: {  	[tilespmem:s31+$0x160] =	vst v1  }
0x2f5: {  	v1 =	vld [tilespmem:s18+$0x170];
	_ =	sdelay $0x1  }
0x2f6: {  	v63 =	vld [tilespmem:s31+$0x170];
	_ =	sdelay $0x2  }
0x2f7: {  	v0 =	vmul.f32 v1, v0;
	_ =	sdelay $0x1  }
0x2f8: {  	s14 =	sadd.s32 $0x1, s14;
	v0 =	vadd.f32 v0, v63  }
0x2f9: {  	p0 =	sne.s32 s14, $0x20  }
.Ltmp1:
0x2fa: {  	s15 =	sadd.s32 s6, s15;
	[tilespmem:s31+$0x170] =	vst v0;
	(pc) =	sbr.rel @p0 .LBB2_2-.Ltmp1, $4  }
0x2fb: {  	[hbm4b:s15+s3] =	stream.linear.scatter [tilespmem:s3], [sflag:$0x1], $0xC000, $0x38;
	[tilespmem:$0x18080] =	vst v63  }
0x2fc: {  	_ =	swait.ge [sflag:s7], $0xC000  }
0x2fd: {  	[sflag:s7] =	ssyncset.done $0x0  }
0x2fe: {  	[sflag:s7] =	ssyncadd.s32 $0xFFFF4000  }
0x2ff: {  	s13 =	sadd.s32 $0x1, s13  }
0x300: {  	p0 =	sne.s32 s13, s10  }
.Ltmp2:
0x301: {  	_ = 	snop;
	(pc) =	sbr.rel @p0 .LBB2_1-.Ltmp2, $1  }
0x302: {  	_ =	sdelay $0x3  }
0x303: {  	_ =	sfence.sel $0x180000  }
0x304: {  	[bflag:$0x0] =	sbarrier.arrive $0xFFFF  }
0x305: {  	p0 =	sne.s32 s2, $0x0;
	_ =	strace $0x90000047  }
0x306: {  	s0 =	sadd.s32 @!p0 $0x100000, s0;
	[bflag:$0x2] =	sbarrier.arrive $0xFFFF  }
0x307: {  	[sflag:s0] =	ssyncadd.tile.s32 @!p0 $0x1;
	_ =	shalt  }
.Lfunc_end2:
_tile_overlayer_lowered:
.L_overlay_start_2:
0x308: {  	(tag) =	ssettag $0x2  }
0x309: {  	s0 =	rddreg [dreg:$0x0];
	s2 =	stileid.u32  }
0x30a: {  	s1 =	rddreg [dreg:$0x1];
	p0 =	sne.s32 s2, $0x0  }
0x30b: {  	s3 =	rddreg [dreg:$0x2];
	[bflag:$0x3] =	sbarrier.arrive $0xFFFF;
	s2 =	simm.s32 @!p0 $0x1C01  }
0x30c: {  	[timem:s3], [sflag:s2] =	dma.local @!p0 [hbm:s0], s1  }
0x30d: {  	s0 =	simm.s32 @!p0 $0x1  }
0x30e: {  	_ =	swait.ge @!p0 [sflag:s0], s1  }
0x30f: {  	s1 =	ssub.s32 @!p0 $0x0, s1;
	[sflag:s0] =	ssyncset.done @!p0 $0x0  }
0x310: {  	[sflag:s0] =	ssyncadd.s32 @!p0 s1  }
0x311: {  	[bflag:$0x3] =	sbarrier.arrive $0xFFFF  }
0x312: {  	_ =	shalt  }

</sc_bundles>
